<compile_context>
chip_gen: v7x
topology: tpu7x:2x2x1
jax: 0.10.2.dev20260603
libtpu: 0.0.44.dev20260713+nightly
codegen_flags: <defaults>
</compile_context>

<pallas_src>
import jax
import jax.numpy as jnp
from jax import lax
from jax.experimental import pallas as pl
from jax.experimental.pallas import tpu as pltpu
from jax.experimental.pallas import tpu_sc as plsc

_B = 128
_D = 32768
_L = 16
_GRP = 8
_NGRP = _D // (_L * _GRP)
_N_BISECT_SC = 22
_WORKERS = 32
_B_SC = 32
_ROWS_PER_W = _B_SC // _WORKERS
_N_BISECT_TC = 14
_TC_ROWS_PER_BLOCK = 48


def _process_row(row_v, cand_v, gmax_v):
    @plsc.parallel_loop(0, _NGRP, unroll=4, carry=row_v[pl.ds(0, _L)])
    def acc(g, acc):
        base = g * (_L * _GRP)
        c0 = jnp.maximum(row_v[pl.ds(base, _L)], row_v[pl.ds(base + _L, _L)])
        c1 = jnp.maximum(row_v[pl.ds(base + 2 * _L, _L)],
                         row_v[pl.ds(base + 3 * _L, _L)])
        c2 = jnp.maximum(row_v[pl.ds(base + 4 * _L, _L)],
                         row_v[pl.ds(base + 5 * _L, _L)])
        c3 = jnp.maximum(row_v[pl.ds(base + 6 * _L, _L)],
                         row_v[pl.ds(base + 7 * _L, _L)])
        gv = jnp.maximum(jnp.maximum(c0, c1), jnp.maximum(c2, c3))
        gmax_v[pl.ds(g * _L, _L)] = gv
        return jnp.maximum(acc, gv)

    m = jnp.max(acc)
    thr = m - 1.0

    @plsc.parallel_loop(0, _NGRP, unroll=2, carry=jnp.int32(0))
    def off(g, off):
        anyg = jnp.any(gmax_v[pl.ds(g * _L, _L)] > thr)

        def slow(off):
            base = g * (_L * _GRP)
            for c in range(_GRP):
                v = row_v[pl.ds(base + c * _L, _L)]
                mk = v > thr
                mi = jnp.where(mk, 1, 0).astype(jnp.int32)
                cs = plsc.cumsum(mi)
                pos = cs - 1 + off
                plsc.store_scatter(cand_v, [pos], v, mask=mk)
                off = off + jnp.sum(mi)
            return off

        return lax.cond(anyg, slow, lambda off: off, off)

    pad = jnp.full((_L,), 0.0, jnp.float32) + thr
    cand_v[pl.ds(off, _L)] = pad
    cand_v[pl.ds(off + _L, _L)] = pad
    nch = off // _L + 1

    def probe(t):
        def pb(i, a):
            return a + jnp.maximum(cand_v[pl.ds(i * _L, _L)] - t, 0.0)

        return jnp.sum(lax.fori_loop(0, nch, pb, jnp.zeros((_L,), jnp.float32)))

    def bis_body(_, carry):
        lo, hi = carry
        mid = 0.5 * (lo + hi)
        ge = probe(mid) >= 1.0
        lo = jnp.where(ge, mid, lo)
        hi = jnp.where(ge, hi, mid)
        return lo, hi

    lo, _hi = lax.fori_loop(0, _N_BISECT_SC, bis_body, (thr, m))

    def ref_body(i, carry):
        ka, sa = carry
        v = cand_v[pl.ds(i * _L, _L)]
        mk = v > lo
        return (ka + jnp.where(mk, 1.0, 0.0), sa + jnp.where(mk, v, 0.0))

    ka, sa = lax.fori_loop(
        0, nch, ref_body,
        (jnp.zeros((_L,), jnp.float32), jnp.zeros((_L,), jnp.float32)))
    sa_b = jnp.zeros((_L,), jnp.float32) + jnp.sum(sa)
    ka_b = jnp.zeros((_L,), jnp.float32) + jnp.sum(ka)
    tau = (sa_b - 1.0) / ka_b

    @plsc.parallel_loop(0, _NGRP, unroll=4)
    def _(g):
        base = g * (_L * _GRP)
        for c in range(_GRP):
            idx = pl.ds(base + c * _L, _L)
            row_v[idx] = jnp.maximum(row_v[idx] - tau, 0.0)


def _sc_body(x_hbm, out_hbm, row_a, row_b, cand_v, gmax_v,
             in_a, in_b, out_a, out_b):
    wid = lax.axis_index("s") * 2 + lax.axis_index("c")
    base = wid * _ROWS_PER_W
    in_base = (_B - _B_SC) + base

    bufs = [(row_a, in_a, out_a), (row_b, in_b, out_b)]
    in_h = [None, None]
    out_h = [None, None]
    in_h[0] = pltpu.async_copy(x_hbm.at[in_base], row_a, in_a)
    for j in range(_ROWS_PER_W):
        buf, insem, outsem = bufs[j % 2]
        in_h[j % 2].wait()
        if j + 1 < _ROWS_PER_W:
            nbuf, ninsem, _ = bufs[(j + 1) % 2]
            if j >= 1:
                out_h[(j + 1) % 2].wait()
            in_h[(j + 1) % 2] = pltpu.async_copy(
                x_hbm.at[in_base + j + 1], nbuf, ninsem)
        _process_row(buf, cand_v, gmax_v)
        out_h[j % 2] = pltpu.async_copy(buf, out_hbm.at[base + j], outsem)
    out_h[(_ROWS_PER_W - 1) % 2].wait()
    if _ROWS_PER_W >= 2:
        out_h[(_ROWS_PER_W - 2) % 2].wait()


def _sc_kernel(x):
    return pl.kernel(
        _sc_body,
        out_type=jax.ShapeDtypeStruct((_B_SC, _D), jnp.float32),
        mesh=plsc.VectorSubcoreMesh(core_axis_name="c", subcore_axis_name="s"),
        compiler_params=pltpu.CompilerParams(needs_layout_passes=False),
        scratch_types=[
            pltpu.VMEM((_D,), jnp.float32),
            pltpu.VMEM((_D,), jnp.float32),
            pltpu.VMEM((_D + 2 * _L,), jnp.float32),
            pltpu.VMEM((_NGRP * _L,), jnp.float32),
            pltpu.SemaphoreType.DMA,
            pltpu.SemaphoreType.DMA,
            pltpu.SemaphoreType.DMA,
            pltpu.SemaphoreType.DMA,
        ],
    )(x)


def _tc_block(x_ref, o_ref):
    xb = x_ref[...]
    m = jnp.max(xb, axis=-1, keepdims=True)
    lo = m - 1.0
    hi = m

    def body(_, carry):
        lo, hi = carry
        mid = 0.5 * (lo + hi)
        f = jnp.sum(jnp.maximum(xb - mid, 0.0), axis=-1, keepdims=True)
        ge = f >= 1.0
        return jnp.where(ge, mid, lo), jnp.where(ge, hi, mid)

    lo, hi = jax.lax.fori_loop(0, _N_BISECT_TC, body, (lo, hi))
    mask = xb > lo
    k = jnp.sum(mask.astype(jnp.float32), axis=-1, keepdims=True)
    s = jnp.sum(jnp.where(mask, xb, 0.0), axis=-1, keepdims=True)
    tau = (s - 1.0) / k
    o_ref[...] = jnp.maximum(xb - tau, 0.0)


def _tc_kernel(x):
    b, d = x.shape
    rows = _TC_ROWS_PER_BLOCK
    return pl.pallas_call(
        _tc_block,
        grid=((b - _B_SC) // rows,),
        in_specs=[pl.BlockSpec((rows, d), lambda i: (i, 0))],
        out_specs=pl.BlockSpec((rows, d), lambda i: (i, 0)),
        out_shape=jax.ShapeDtypeStruct((b - _B_SC, d), x.dtype),
    )(x)


def kernel(x):
    sc_out = _sc_kernel(x)
    tc_out = _tc_kernel(x)
    return jnp.concatenate([tc_out, sc_out], axis=0)

# --- scband reference (transcript-rebuilt; emitter-appended) ---
"""Pipeline reference for scband-sparsemax-80487687127239 (READ-ONLY COPY).

The authoritative reference and input builder live on the scoring server;
editing this copy changes nothing except your own understanding.
"""

import jax, jax.numpy as jnp
import numpy as np


def setup_inputs(seed: int = 0) -> dict:
    key = jax.random.key(seed)
    x = jax.random.normal(key, (128, 32768), dtype=jnp.float32)
    return {"x": x}


def reference(x):
    # Sparsemax along the last dimension (Martins & Astudillo, 2016).
    # lengths=None path: operate over the full last dim.
    d = x.shape[-1]
    # sort descending
    z = jnp.sort(x, axis=-1)[..., ::-1]
    k = jnp.arange(1, d + 1, dtype=x.dtype)
    z_cumsum = jnp.cumsum(z, axis=-1)
    # support: 1 + k*z_k > cumsum(z)_k
    support = (1.0 + k * z) > z_cumsum
    k_z = jnp.sum(support.astype(jnp.int32), axis=-1, keepdims=True)
    # tau = (cumsum at k_z - 1) / k_z
    tau_sum = jnp.take_along_axis(z_cumsum, k_z - 1, axis=-1)
    tau = (tau_sum - 1.0) / k_z.astype(x.dtype)
    return jnp.maximum(x - tau, 0.0)

if __name__ == "__main__":
    import jax
    _d = setup_inputs()
    print(jax.jit(kernel)(*tuple(_d.values())))

</pallas_src>

<mosaic_0001>
#map = affine_map<(d0, d1) -> (0, 0)>
module attributes {stable_mosaic.version = 14 : i64} {
  func.func @_sc_body(%arg0: i32, %arg1: i32, %arg2: memref<128x32768xf32, #tpu.memory_space<hbm>>, %arg3: memref<32x32768xf32, #tpu.memory_space<hbm>>, %arg4: memref<32768xf32, #tpu.memory_space<vmem>>, %arg5: memref<32768xf32, #tpu.memory_space<vmem>>, %arg6: memref<32800xf32, #tpu.memory_space<vmem>>, %arg7: memref<4096xf32, #tpu.memory_space<vmem>>, %arg8: memref<!tpu.dma_semaphore, #tpu.memory_space<semaphore_mem>>, %arg9: memref<!tpu.dma_semaphore, #tpu.memory_space<semaphore_mem>>, %arg10: memref<!tpu.dma_semaphore, #tpu.memory_space<semaphore_mem>>, %arg11: memref<!tpu.dma_semaphore, #tpu.memory_space<semaphore_mem>>) attributes {dimension_semantics = [#tpu.dimension_semantics<core_parallel>, #tpu.dimension_semantics<subcore_parallel>], iteration_bounds = array<i64: 2, 16>, scalar_prefetch = 0 : i64, scratch_operands = 8 : i64, tpu.core_type = #tpu.core_type<sc_vector_subcore>, window_params = [{transform_indices = #map}, {transform_indices = #map}]} {
    %mul3A = arith.constant 2 : i32
    %mul3A_0 = arith.muli %arg1, %mul3A : i32
    %add3A = arith.addi %mul3A_0, %arg0 : i32
    %mul3A_1 = arith.constant 1 : i32
    %mul3A_2 = arith.muli %add3A, %mul3A_1 : i32
    %add3A_3 = arith.constant 96 : i32
    %add3A_4 = arith.addi %add3A_3, %mul3A_2 : i32
    %dma_start3A = arith.constant 0 : i32
    %dma_start3A_5 = tpu.memref_slice %arg2[%add3A_4, %dma_start3A] : memref<128x32768xf32, #tpu.memory_space<hbm>> -> memref<1x32768xf32, #tpu.memory_space<hbm>>
    %dma_start3A_6 = tpu.memref_squeeze %dma_start3A_5 : memref<1x32768xf32, #tpu.memory_space<hbm>> -> memref<32768xf32, #tpu.memory_space<hbm>>
    %dma_start3A_7 = arith.constant 0 : i32
    %dma_start3A_8 = tpu.memref_slice %arg2[%add3A_4, %dma_start3A_7] : memref<128x32768xf32, #tpu.memory_space<hbm>> -> memref<1x32768xf32, #tpu.memory_space<hbm>>
    %dma_start3A_9 = tpu.memref_squeeze %dma_start3A_8 : memref<1x32768xf32, #tpu.memory_space<hbm>> -> memref<32768xf32, #tpu.memory_space<hbm>>
    tpu.enqueue_dma source(%dma_start3A_9 : memref<32768xf32, #tpu.memory_space<hbm>>) target(%arg4 : memref<32768xf32, #tpu.memory_space<vmem>>) target_semaphore(%arg8 : memref<!tpu.dma_semaphore, #tpu.memory_space<semaphore_mem>>)
    %dma_wait3A = arith.constant 0 : i32
    %dma_wait3A_10 = tpu.memref_slice %arg2[%add3A_4, %dma_wait3A] : memref<128x32768xf32, #tpu.memory_space<hbm>> -> memref<1x32768xf32, #tpu.memory_space<hbm>>
    %dma_wait3A_11 = tpu.memref_squeeze %dma_wait3A_10 : memref<1x32768xf32, #tpu.memory_space<hbm>> -> memref<32768xf32, #tpu.memory_space<hbm>>
    %dma_wait3A_12 = arith.constant 0 : i32
    %dma_wait3A_13 = tpu.memref_slice %arg2[%add3A_4, %dma_wait3A_12] : memref<128x32768xf32, #tpu.memory_space<hbm>> -> memref<1x32768xf32, #tpu.memory_space<hbm>>
    %dma_wait3A_14 = tpu.memref_squeeze %dma_wait3A_13 : memref<1x32768xf32, #tpu.memory_space<hbm>> -> memref<32768xf32, #tpu.memory_space<hbm>>
    tpu.wait_dma2 semaphore(%arg8 : memref<!tpu.dma_semaphore, #tpu.memory_space<semaphore_mem>>) src(%dma_wait3A_14 : memref<32768xf32, #tpu.memory_space<hbm>>) dst(%arg4 : memref<32768xf32, #tpu.memory_space<vmem>>)
    %get3A = arith.constant 0 : index
    %get3A_15 = tpu.vector_load %arg4[%get3A] {strides = array<i32>} : memref<32768xf32, #tpu.memory_space<vmem>>, vector<16xf32>,
    %parallel_loop3A = arith.constant 0 : i32
    %parallel_loop3A_16 = arith.constant 256 : i32
    %parallel_loop3A_17 = arith.constant 1 : i32
    %parallel_loop3A_18 = scf.for %parallel_loop3A_110 = %parallel_loop3A to %parallel_loop3A_16 step %parallel_loop3A_17 iter_args(%parallel_loop3A_111 = %get3A_15) -> (vector<16xf32>)  : i32 {
      %parallel_loop3A_112 = arith.constant 128 : i32
      %parallel_loop3A_113 = arith.muli %parallel_loop3A_110, %parallel_loop3A_112 : i32
      %parallel_loop3A_114 = arith.index_cast %parallel_loop3A_113 : i32 to index
      %parallel_loop3A_115 = tpu.vector_load %arg4[%parallel_loop3A_114] {strides = array<i32>} : memref<32768xf32, #tpu.memory_space<vmem>>, vector<16xf32>,
      %parallel_loop3A_116 = arith.constant 16 : i32
      %parallel_loop3A_117 = arith.addi %parallel_loop3A_113, %parallel_loop3A_116 : i32
      %parallel_loop3A_118 = arith.index_cast %parallel_loop3A_117 : i32 to index
      %parallel_loop3A_119 = tpu.vector_load %arg4[%parallel_loop3A_118] {strides = array<i32>} : memref<32768xf32, #tpu.memory_space<vmem>>, vector<16xf32>,
      %parallel_loop3A_120 = arith.maximumf %parallel_loop3A_115, %parallel_loop3A_119 : vector<16xf32>
      %parallel_loop3A_121 = arith.constant 32 : i32
      %parallel_loop3A_122 = arith.addi %parallel_loop3A_113, %parallel_loop3A_121 : i32
      %parallel_loop3A_123 = arith.index_cast %parallel_loop3A_122 : i32 to index
      %parallel_loop3A_124 = tpu.vector_load %arg4[%parallel_loop3A_123] {strides = array<i32>} : memref<32768xf32, #tpu.memory_space<vmem>>, vector<16xf32>,
      %parallel_loop3A_125 = arith.constant 48 : i32
      %parallel_loop3A_126 = arith.addi %parallel_loop3A_113, %parallel_loop3A_125 : i32
      %parallel_loop3A_127 = arith.index_cast %parallel_loop3A_126 : i32 to index
      %parallel_loop3A_128 = tpu.vector_load %arg4[%parallel_loop3A_127] {strides = array<i32>} : memref<32768xf32, #tpu.memory_space<vmem>>, vector<16xf32>,
      %parallel_loop3A_129 = arith.maximumf %parallel_loop3A_124, %parallel_loop3A_128 : vector<16xf32>
      %parallel_loop3A_130 = arith.constant 64 : i32
      %parallel_loop3A_131 = arith.addi %parallel_loop3A_113, %parallel_loop3A_130 : i32
      %parallel_loop3A_132 = arith.index_cast %parallel_loop3A_131 : i32 to index
      %parallel_loop3A_133 = tpu.vector_load %arg4[%parallel_loop3A_132] {strides = array<i32>} : memref<32768xf32, #tpu.memory_space<vmem>>, vector<16xf32>,
      %parallel_loop3A_134 = arith.constant 80 : i32
      %parallel_loop3A_135 = arith.addi %parallel_loop3A_113, %parallel_loop3A_134 : i32
      %parallel_loop3A_136 = arith.index_cast %parallel_loop3A_135 : i32 to index
      %parallel_loop3A_137 = tpu.vector_load %arg4[%parallel_loop3A_136] {strides = array<i32>} : memref<32768xf32, #tpu.memory_space<vmem>>, vector<16xf32>,
      %parallel_loop3A_138 = arith.maximumf %parallel_loop3A_133, %parallel_loop3A_137 : vector<16xf32>
      %parallel_loop3A_139 = arith.constant 96 : i32
      %parallel_loop3A_140 = arith.addi %parallel_loop3A_113, %parallel_loop3A_139 : i32
      %parallel_loop3A_141 = arith.index_cast %parallel_loop3A_140 : i32 to index
      %parallel_loop3A_142 = tpu.vector_load %arg4[%parallel_loop3A_141] {strides = array<i32>} : memref<32768xf32, #tpu.memory_space<vmem>>, vector<16xf32>,
      %parallel_loop3A_143 = arith.constant 112 : i32
      %parallel_loop3A_144 = arith.addi %parallel_loop3A_113, %parallel_loop3A_143 : i32
      %parallel_loop3A_145 = arith.index_cast %parallel_loop3A_144 : i32 to index
      %parallel_loop3A_146 = tpu.vector_load %arg4[%parallel_loop3A_145] {strides = array<i32>} : memref<32768xf32, #tpu.memory_space<vmem>>, vector<16xf32>,
      %parallel_loop3A_147 = arith.maximumf %parallel_loop3A_142, %parallel_loop3A_146 : vector<16xf32>
      %parallel_loop3A_148 = arith.maximumf %parallel_loop3A_120, %parallel_loop3A_129 : vector<16xf32>
      %parallel_loop3A_149 = arith.maximumf %parallel_loop3A_138, %parallel_loop3A_147 : vector<16xf32>
      %parallel_loop3A_150 = arith.maximumf %parallel_loop3A_148, %parallel_loop3A_149 : vector<16xf32>
      %parallel_loop3A_151 = arith.constant 16 : i32
      %parallel_loop3A_152 = arith.muli %parallel_loop3A_110, %parallel_loop3A_151 : i32
      %parallel_loop3A_153 = arith.index_cast %parallel_loop3A_152 : i32 to index
      %parallel_loop3A_154 = tpu.vector_load %arg7[%parallel_loop3A_153] {strides = array<i32>} : memref<4096xf32, #tpu.memory_space<vmem>>, vector<16xf32>,
      tpu.vector_store %arg7[%parallel_loop3A_153], %parallel_loop3A_150 {strides = array<i32>} : memref<4096xf32, #tpu.memory_space<vmem>>, vector<16xf32>,
      %parallel_loop3A_155 = arith.maximumf %parallel_loop3A_111, %parallel_loop3A_150 : vector<16xf32>
      scf.yield %parallel_loop3A_155 : vector<16xf32>
    } {sc.loop_unroll_factor = 4 : i64, sc.parallel_access}
    %reduce_max3A = arith.constant true
    %reduce_max3A_19 = vector.broadcast %reduce_max3A : i1 to vector<16xi1>
    %reduce_max3A_20 = tpu.scan <max>, %parallel_loop3A_18 masked %reduce_max3A_19 : vector<16xf32>, vector<16xi1> -> vector<16xf32>
    %reduce_max3A_21 = vector.extract %reduce_max3A_20[15] : f32 from vector<16xf32>
    %sub3A = arith.constant 1.000000e+00 : f32
    %sub3A_22 = arith.subf %reduce_max3A_21, %sub3A : f32
    %parallel_loop3A_23 = arith.constant 0 : i32
    %parallel_loop3A_24 = arith.constant 256 : i32
    %parallel_loop3A_25 = arith.constant 1 : i32
    %parallel_loop3A_26 = arith.constant 0 : i32
    %parallel_loop3A_27 = scf.for %parallel_loop3A_110 = %parallel_loop3A_23 to %parallel_loop3A_24 step %parallel_loop3A_25 iter_args(%parallel_loop3A_111 = %parallel_loop3A_26) -> (i32)  : i32 {
      %parallel_loop3A_112 = arith.constant 16 : i32
      %parallel_loop3A_113 = arith.muli %parallel_loop3A_110, %parallel_loop3A_112 : i32
      %parallel_loop3A_114 = arith.index_cast %parallel_loop3A_113 : i32 to index
      %parallel_loop3A_115 = tpu.vector_load %arg7[%parallel_loop3A_114] {strides = array<i32>} : memref<4096xf32, #tpu.memory_space<vmem>>, vector<16xf32>,
      %parallel_loop3A_116 = vector.broadcast %sub3A_22 : f32 to vector<16xf32>
      %parallel_loop3A_117 = arith.cmpf ogt, %parallel_loop3A_115, %parallel_loop3A_116 : vector<16xf32>
      %parallel_loop3A_118 = arith.constant 1.000000e+00 : f32
      %parallel_loop3A_119 = arith.constant 0.000000e+00 : f32
      %parallel_loop3A_120 = vector.broadcast %parallel_loop3A_118 : f32 to vector<16xf32>
      %parallel_loop3A_121 = vector.broadcast %parallel_loop3A_119 : f32 to vector<16xf32>
      %parallel_loop3A_122 = arith.select %parallel_loop3A_117, %parallel_loop3A_120, %parallel_loop3A_121 : vector<16xi1>, vector<16xf32>
      %parallel_loop3A_123 = arith.constant true
      %parallel_loop3A_124 = vector.broadcast %parallel_loop3A_123 : i1 to vector<16xi1>
      %parallel_loop3A_125 = tpu.scan <max>, %parallel_loop3A_122 masked %parallel_loop3A_124 : vector<16xf32>, vector<16xi1> -> vector<16xf32>
      %parallel_loop3A_126 = vector.extract %parallel_loop3A_125[15] : f32 from vector<16xf32>
      %parallel_loop3A_127 = arith.constant 0.000000e+00 : f32
      %parallel_loop3A_128 = arith.cmpf ogt, %parallel_loop3A_126, %parallel_loop3A_127 : f32
      %parallel_loop3A_129 = arith.extui %parallel_loop3A_128 : i1 to i32
      %parallel_loop3A_130 = arith.constant 0 : i32
      %parallel_loop3A_131 = arith.cmpi ne, %parallel_loop3A_129, %parallel_loop3A_130 : i32
      %parallel_loop3A_132 = scf.if %parallel_loop3A_131 -> (i32) {
        %parallel_loop3A_133 = arith.constant 128 : i32
        %parallel_loop3A_134 = arith.muli %parallel_loop3A_110, %parallel_loop3A_133 : i32
        %parallel_loop3A_135 = arith.constant 0 : i32
        %parallel_loop3A_136 = arith.addi %parallel_loop3A_134, %parallel_loop3A_135 : i32
        %parallel_loop3A_137 = arith.index_cast %parallel_loop3A_136 : i32 to index
        %parallel_loop3A_138 = tpu.vector_load %arg4[%parallel_loop3A_137] {strides = array<i32>} : memref<32768xf32, #tpu.memory_space<vmem>>, vector<16xf32>,
        %parallel_loop3A_139 = vector.broadcast %sub3A_22 : f32 to vector<16xf32>
        %parallel_loop3A_140 = arith.cmpf ogt, %parallel_loop3A_138, %parallel_loop3A_139 : vector<16xf32>
        %parallel_loop3A_141 = arith.constant 1 : i32
        %parallel_loop3A_142 = arith.constant 0 : i32
        %parallel_loop3A_143 = vector.broadcast %parallel_loop3A_141 : i32 to vector<16xi32>
        %parallel_loop3A_144 = vector.broadcast %parallel_loop3A_142 : i32 to vector<16xi32>
        %parallel_loop3A_145 = arith.select %parallel_loop3A_140, %parallel_loop3A_143, %parallel_loop3A_144 : vector<16xi1>, vector<16xi32>
        %parallel_loop3A_146 = arith.constant true
        %parallel_loop3A_147 = vector.broadcast %parallel_loop3A_146 : i1 to vector<16xi1>
        %parallel_loop3A_148 = tpu.scan <sum>, %parallel_loop3A_145 masked %parallel_loop3A_147 : vector<16xi32>, vector<16xi1> -> vector<16xi32>
        %parallel_loop3A_149 = arith.constant 1 : i32
        %parallel_loop3A_150 = vector.broadcast %parallel_loop3A_149 : i32 to vector<16xi32>
        %parallel_loop3A_151 = arith.subi %parallel_loop3A_148, %parallel_loop3A_150 : vector<16xi32>
        %parallel_loop3A_152 = vector.broadcast %parallel_loop3A_111 : i32 to vector<16xi32>
        %parallel_loop3A_153 = arith.addi %parallel_loop3A_151, %parallel_loop3A_152 : vector<16xi32>
        tpu.vector_store_idx %arg6[%parallel_loop3A_153], %parallel_loop3A_138 masked %parallel_loop3A_140 : memref<32800xf32, #tpu.memory_space<vmem>>[vector<16xi32>], vector<16xf32>, vector<16xi1>
        %parallel_loop3A_154 = arith.constant true
        %parallel_loop3A_155 = vector.broadcast %parallel_loop3A_154 : i1 to vector<16xi1>
        %parallel_loop3A_156 = tpu.scan <sum>, %parallel_loop3A_145 masked %parallel_loop3A_155 : vector<16xi32>, vector<16xi1> -> vector<16xi32>
        %parallel_loop3A_157 = vector.extract %parallel_loop3A_156[15] : i32 from vector<16xi32>
        %parallel_loop3A_158 = arith.addi %parallel_loop3A_111, %parallel_loop3A_157 : i32
        %parallel_loop3A_159 = arith.constant 16 : i32
        %parallel_loop3A_160 = arith.addi %parallel_loop3A_134, %parallel_loop3A_159 : i32
        %parallel_loop3A_161 = arith.index_cast %parallel_loop3A_160 : i32 to index
        %parallel_loop3A_162 = tpu.vector_load %arg4[%parallel_loop3A_161] {strides = array<i32>} : memref<32768xf32, #tpu.memory_space<vmem>>, vector<16xf32>,
        %parallel_loop3A_163 = vector.broadcast %sub3A_22 : f32 to vector<16xf32>
        %parallel_loop3A_164 = arith.cmpf ogt, %parallel_loop3A_162, %parallel_loop3A_163 : vector<16xf32>
        %parallel_loop3A_165 = arith.constant 1 : i32
        %parallel_loop3A_166 = arith.constant 0 : i32
        %parallel_loop3A_167 = vector.broadcast %parallel_loop3A_165 : i32 to vector<16xi32>
        %parallel_loop3A_168 = vector.broadcast %parallel_loop3A_166 : i32 to vector<16xi32>
        %parallel_loop3A_169 = arith.select %parallel_loop3A_164, %parallel_loop3A_167, %parallel_loop3A_168 : vector<16xi1>, vector<16xi32>
        %parallel_loop3A_170 = arith.constant true
        %parallel_loop3A_171 = vector.broadcast %parallel_loop3A_170 : i1 to vector<16xi1>
        %parallel_loop3A_172 = tpu.scan <sum>, %parallel_loop3A_169 masked %parallel_loop3A_171 : vector<16xi32>, vector<16xi1> -> vector<16xi32>
        %parallel_loop3A_173 = arith.constant 1 : i32
        %parallel_loop3A_174 = vector.broadcast %parallel_loop3A_173 : i32 to vector<16xi32>
        %parallel_loop3A_175 = arith.subi %parallel_loop3A_172, %parallel_loop3A_174 : vector<16xi32>
        %parallel_loop3A_176 = vector.broadcast %parallel_loop3A_158 : i32 to vector<16xi32>
        %parallel_loop3A_177 = arith.addi %parallel_loop3A_175, %parallel_loop3A_176 : vector<16xi32>
        tpu.vector_store_idx %arg6[%parallel_loop3A_177], %parallel_loop3A_162 masked %parallel_loop3A_164 : memref<32800xf32, #tpu.memory_space<vmem>>[vector<16xi32>], vector<16xf32>, vector<16xi1>
        %parallel_loop3A_178 = arith.constant true
        %parallel_loop3A_179 = vector.broadcast %parallel_loop3A_178 : i1 to vector<16xi1>
        %parallel_loop3A_180 = tpu.scan <sum>, %parallel_loop3A_169 masked %parallel_loop3A_179 : vector<16xi32>, vector<16xi1> -> vector<16xi32>
        %parallel_loop3A_181 = vector.extract %parallel_loop3A_180[15] : i32 from vector<16xi32>
        %parallel_loop3A_182 = arith.addi %parallel_loop3A_158, %parallel_loop3A_181 : i32
        %parallel_loop3A_183 = arith.constant 32 : i32
        %parallel_loop3A_184 = arith.addi %parallel_loop3A_134, %parallel_loop3A_183 : i32
        %parallel_loop3A_185 = arith.index_cast %parallel_loop3A_184 : i32 to index
        %parallel_loop3A_186 = tpu.vector_load %arg4[%parallel_loop3A_185] {strides = array<i32>} : memref<32768xf32, #tpu.memory_space<vmem>>, vector<16xf32>,
        %parallel_loop3A_187 = vector.broadcast %sub3A_22 : f32 to vector<16xf32>
        %parallel_loop3A_188 = arith.cmpf ogt, %parallel_loop3A_186, %parallel_loop3A_187 : vector<16xf32>
        %parallel_loop3A_189 = arith.constant 1 : i32
        %parallel_loop3A_190 = arith.constant 0 : i32
        %parallel_loop3A_191 = vector.broadcast %parallel_loop3A_189 : i32 to vector<16xi32>
        %parallel_loop3A_192 = vector.broadcast %parallel_loop3A_190 : i32 to vector<16xi32>
        %parallel_loop3A_193 = arith.select %parallel_loop3A_188, %parallel_loop3A_191, %parallel_loop3A_192 : vector<16xi1>, vector<16xi32>
        %parallel_loop3A_194 = arith.constant true
        %parallel_loop3A_195 = vector.broadcast %parallel_loop3A_194 : i1 to vector<16xi1>
        %parallel_loop3A_196 = tpu.scan <sum>, %parallel_loop3A_193 masked %parallel_loop3A_195 : vector<16xi32>, vector<16xi1> -> vector<16xi32>
        %parallel_loop3A_197 = arith.constant 1 : i32
        %parallel_loop3A_198 = vector.broadcast %parallel_loop3A_197 : i32 to vector<16xi32>
        %parallel_loop3A_199 = arith.subi %parallel_loop3A_196, %parallel_loop3A_198 : vector<16xi32>
        %parallel_loop3A_200 = vector.broadcast %parallel_loop3A_182 : i32 to vector<16xi32>
        %parallel_loop3A_201 = arith.addi %parallel_loop3A_199, %parallel_loop3A_200 : vector<16xi32>
        tpu.vector_store_idx %arg6[%parallel_loop3A_201], %parallel_loop3A_186 masked %parallel_loop3A_188 : memref<32800xf32, #tpu.memory_space<vmem>>[vector<16xi32>], vector<16xf32>, vector<16xi1>
        %parallel_loop3A_202 = arith.constant true
        %parallel_loop3A_203 = vector.broadcast %parallel_loop3A_202 : i1 to vector<16xi1>
        %parallel_loop3A_204 = tpu.scan <sum>, %parallel_loop3A_193 masked %parallel_loop3A_203 : vector<16xi32>, vector<16xi1> -> vector<16xi32>
        %parallel_loop3A_205 = vector.extract %parallel_loop3A_204[15] : i32 from vector<16xi32>
        %parallel_loop3A_206 = arith.addi %parallel_loop3A_182, %parallel_loop3A_205 : i32
        %parallel_loop3A_207 = arith.constant 48 : i32
        %parallel_loop3A_208 = arith.addi %parallel_loop3A_134, %parallel_loop3A_207 : i32
        %parallel_loop3A_209 = arith.index_cast %parallel_loop3A_208 : i32 to index
        %parallel_loop3A_210 = tpu.vector_load %arg4[%parallel_loop3A_209] {strides = array<i32>} : memref<32768xf32, #tpu.memory_space<vmem>>, vector<16xf32>,
        %parallel_loop3A_211 = vector.broadcast %sub3A_22 : f32 to vector<16xf32>
        %parallel_loop3A_212 = arith.cmpf ogt, %parallel_loop3A_210, %parallel_loop3A_211 : vector<16xf32>
        %parallel_loop3A_213 = arith.constant 1 : i32
        %parallel_loop3A_214 = arith.constant 0 : i32
        %parallel_loop3A_215 = vector.broadcast %parallel_loop3A_213 : i32 to vector<16xi32>
        %parallel_loop3A_216 = vector.broadcast %parallel_loop3A_214 : i32 to vector<16xi32>
        %parallel_loop3A_217 = arith.select %parallel_loop3A_212, %parallel_loop3A_215, %parallel_loop3A_216 : vector<16xi1>, vector<16xi32>
        %parallel_loop3A_218 = arith.constant true
        %parallel_loop3A_219 = vector.broadcast %parallel_loop3A_218 : i1 to vector<16xi1>
        %parallel_loop3A_220 = tpu.scan <sum>, %parallel_loop3A_217 masked %parallel_loop3A_219 : vector<16xi32>, vector<16xi1> -> vector<16xi32>
        %parallel_loop3A_221 = arith.constant 1 : i32
        %parallel_loop3A_222 = vector.broadcast %parallel_loop3A_221 : i32 to vector<16xi32>
        %parallel_loop3A_223 = arith.subi %parallel_loop3A_220, %parallel_loop3A_222 : vector<16xi32>
        %parallel_loop3A_224 = vector.broadcast %parallel_loop3A_206 : i32 to vector<16xi32>
        %parallel_loop3A_225 = arith.addi %parallel_loop3A_223, %parallel_loop3A_224 : vector<16xi32>
        tpu.vector_store_idx %arg6[%parallel_loop3A_225], %parallel_loop3A_210 masked %parallel_loop3A_212 : memref<32800xf32, #tpu.memory_space<vmem>>[vector<16xi32>], vector<16xf32>, vector<16xi1>
        %parallel_loop3A_226 = arith.constant true
        %parallel_loop3A_227 = vector.broadcast %parallel_loop3A_226 : i1 to vector<16xi1>
        %parallel_loop3A_228 = tpu.scan <sum>, %parallel_loop3A_217 masked %parallel_loop3A_227 : vector<16xi32>, vector<16xi1> -> vector<16xi32>
        %parallel_loop3A_229 = vector.extract %parallel_loop3A_228[15] : i32 from vector<16xi32>
        %parallel_loop3A_230 = arith.addi %parallel_loop3A_206, %parallel_loop3A_229 : i32
        %parallel_loop3A_231 = arith.constant 64 : i32
        %parallel_loop3A_232 = arith.addi %parallel_loop3A_134, %parallel_loop3A_231 : i32
        %parallel_loop3A_233 = arith.index_cast %parallel_loop3A_232 : i32 to index
        %parallel_loop3A_234 = tpu.vector_load %arg4[%parallel_loop3A_233] {strides = array<i32>} : memref<32768xf32, #tpu.memory_space<vmem>>, vector<16xf32>,
        %parallel_loop3A_235 = vector.broadcast %sub3A_22 : f32 to vector<16xf32>
        %parallel_loop3A_236 = arith.cmpf ogt, %parallel_loop3A_234, %parallel_loop3A_235 : vector<16xf32>
        %parallel_loop3A_237 = arith.constant 1 : i32
        %parallel_loop3A_238 = arith.constant 0 : i32
        %parallel_loop3A_239 = vector.broadcast %parallel_loop3A_237 : i32 to vector<16xi32>
        %parallel_loop3A_240 = vector.broadcast %parallel_loop3A_238 : i32 to vector<16xi32>
        %parallel_loop3A_241 = arith.select %parallel_loop3A_236, %parallel_loop3A_239, %parallel_loop3A_240 : vector<16xi1>, vector<16xi32>
        %parallel_loop3A_242 = arith.constant true
        %parallel_loop3A_243 = vector.broadcast %parallel_loop3A_242 : i1 to vector<16xi1>
        %parallel_loop3A_244 = tpu.scan <sum>, %parallel_loop3A_241 masked %parallel_loop3A_243 : vector<16xi32>, vector<16xi1> -> vector<16xi32>
        %parallel_loop3A_245 = arith.constant 1 : i32
        %parallel_loop3A_246 = vector.broadcast %parallel_loop3A_245 : i32 to vector<16xi32>
        %parallel_loop3A_247 = arith.subi %parallel_loop3A_244, %parallel_loop3A_246 : vector<16xi32>
        %parallel_loop3A_248 = vector.broadcast %parallel_loop3A_230 : i32 to vector<16xi32>
        %parallel_loop3A_249 = arith.addi %parallel_loop3A_247, %parallel_loop3A_248 : vector<16xi32>
        tpu.vector_store_idx %arg6[%parallel_loop3A_249], %parallel_loop3A_234 masked %parallel_loop3A_236 : memref<32800xf32, #tpu.memory_space<vmem>>[vector<16xi32>], vector<16xf32>, vector<16xi1>
        %parallel_loop3A_250 = arith.constant true
        %parallel_loop3A_251 = vector.broadcast %parallel_loop3A_250 : i1 to vector<16xi1>
        %parallel_loop3A_252 = tpu.scan <sum>, %parallel_loop3A_241 masked %parallel_loop3A_251 : vector<16xi32>, vector<16xi1> -> vector<16xi32>
        %parallel_loop3A_253 = vector.extract %parallel_loop3A_252[15] : i32 from vector<16xi32>
        %parallel_loop3A_254 = arith.addi %parallel_loop3A_230, %parallel_loop3A_253 : i32
        %parallel_loop3A_255 = arith.constant 80 : i32
        %parallel_loop3A_256 = arith.addi %parallel_loop3A_134, %parallel_loop3A_255 : i32
        %parallel_loop3A_257 = arith.index_cast %parallel_loop3A_256 : i32 to index
        %parallel_loop3A_258 = tpu.vector_load %arg4[%parallel_loop3A_257] {strides = array<i32>} : memref<32768xf32, #tpu.memory_space<vmem>>, vector<16xf32>,
        %parallel_loop3A_259 = vector.broadcast %sub3A_22 : f32 to vector<16xf32>
        %parallel_loop3A_260 = arith.cmpf ogt, %parallel_loop3A_258, %parallel_loop3A_259 : vector<16xf32>
        %parallel_loop3A_261 = arith.constant 1 : i32
        %parallel_loop3A_262 = arith.constant 0 : i32
        %parallel_loop3A_263 = vector.broadcast %parallel_loop3A_261 : i32 to vector<16xi32>
        %parallel_loop3A_264 = vector.broadcast %parallel_loop3A_262 : i32 to vector<16xi32>
        %parallel_loop3A_265 = arith.select %parallel_loop3A_260, %parallel_loop3A_263, %parallel_loop3A_264 : vector<16xi1>, vector<16xi32>
        %parallel_loop3A_266 = arith.constant true
        %parallel_loop3A_267 = vector.broadcast %parallel_loop3A_266 : i1 to vector<16xi1>
        %parallel_loop3A_268 = tpu.scan <sum>, %parallel_loop3A_265 masked %parallel_loop3A_267 : vector<16xi32>, vector<16xi1> -> vector<16xi32>
        %parallel_loop3A_269 = arith.constant 1 : i32
        %parallel_loop3A_270 = vector.broadcast %parallel_loop3A_269 : i32 to vector<16xi32>
        %parallel_loop3A_271 = arith.subi %parallel_loop3A_268, %parallel_loop3A_270 : vector<16xi32>
        %parallel_loop3A_272 = vector.broadcast %parallel_loop3A_254 : i32 to vector<16xi32>
        %parallel_loop3A_273 = arith.addi %parallel_loop3A_271, %parallel_loop3A_272 : vector<16xi32>
        tpu.vector_store_idx %arg6[%parallel_loop3A_273], %parallel_loop3A_258 masked %parallel_loop3A_260 : memref<32800xf32, #tpu.memory_space<vmem>>[vector<16xi32>], vector<16xf32>, vector<16xi1>
        %parallel_loop3A_274 = arith.constant true
        %parallel_loop3A_275 = vector.broadcast %parallel_loop3A_274 : i1 to vector<16xi1>
        %parallel_loop3A_276 = tpu.scan <sum>, %parallel_loop3A_265 masked %parallel_loop3A_275 : vector<16xi32>, vector<16xi1> -> vector<16xi32>
        %parallel_loop3A_277 = vector.extract %parallel_loop3A_276[15] : i32 from vector<16xi32>
        %parallel_loop3A_278 = arith.addi %parallel_loop3A_254, %parallel_loop3A_277 : i32
        %parallel_loop3A_279 = arith.constant 96 : i32
        %parallel_loop3A_280 = arith.addi %parallel_loop3A_134, %parallel_loop3A_279 : i32
        %parallel_loop3A_281 = arith.index_cast %parallel_loop3A_280 : i32 to index
        %parallel_loop3A_282 = tpu.vector_load %arg4[%parallel_loop3A_281] {strides = array<i32>} : memref<32768xf32, #tpu.memory_space<vmem>>, vector<16xf32>,
        %parallel_loop3A_283 = vector.broadcast %sub3A_22 : f32 to vector<16xf32>
        %parallel_loop3A_284 = arith.cmpf ogt, %parallel_loop3A_282, %parallel_loop3A_283 : vector<16xf32>
        %parallel_loop3A_285 = arith.constant 1 : i32
        %parallel_loop3A_286 = arith.constant 0 : i32
        %parallel_loop3A_287 = vector.broadcast %parallel_loop3A_285 : i32 to vector<16xi32>
        %parallel_loop3A_288 = vector.broadcast %parallel_loop3A_286 : i32 to vector<16xi32>
        %parallel_loop3A_289 = arith.select %parallel_loop3A_284, %parallel_loop3A_287, %parallel_loop3A_288 : vector<16xi1>, vector<16xi32>
        %parallel_loop3A_290 = arith.constant true
        %parallel_loop3A_291 = vector.broadcast %parallel_loop3A_290 : i1 to vector<16xi1>
        %parallel_loop3A_292 = tpu.scan <sum>, %parallel_loop3A_289 masked %parallel_loop3A_291 : vector<16xi32>, vector<16xi1> -> vector<16xi32>
        %parallel_loop3A_293 = arith.constant 1 : i32
        %parallel_loop3A_294 = vector.broadcast %parallel_loop3A_293 : i32 to vector<16xi32>
        %parallel_loop3A_295 = arith.subi %parallel_loop3A_292, %parallel_loop3A_294 : vector<16xi32>
        %parallel_loop3A_296 = vector.broadcast %parallel_loop3A_278 : i32 to vector<16xi32>
        %parallel_loop3A_297 = arith.addi %parallel_loop3A_295, %parallel_loop3A_296 : vector<16xi32>
        tpu.vector_store_idx %arg6[%parallel_loop3A_297], %parallel_loop3A_282 masked %parallel_loop3A_284 : memref<32800xf32, #tpu.memory_space<vmem>>[vector<16xi32>], vector<16xf32>, vector<16xi1>
        %parallel_loop3A_298 = arith.constant true
        %parallel_loop3A_299 = vector.broadcast %parallel_loop3A_298 : i1 to vector<16xi1>
        %parallel_loop3A_300 = tpu.scan <sum>, %parallel_loop3A_289 masked %parallel_loop3A_299 : vector<16xi32>, vector<16xi1> -> vector<16xi32>
        %parallel_loop3A_301 = vector.extract %parallel_loop3A_300[15] : i32 from vector<16xi32>
        %parallel_loop3A_302 = arith.addi %parallel_loop3A_278, %parallel_loop3A_301 : i32
        %parallel_loop3A_303 = arith.constant 112 : i32
        %parallel_loop3A_304 = arith.addi %parallel_loop3A_134, %parallel_loop3A_303 : i32
        %parallel_loop3A_305 = arith.index_cast %parallel_loop3A_304 : i32 to index
        %parallel_loop3A_306 = tpu.vector_load %arg4[%parallel_loop3A_305] {strides = array<i32>} : memref<32768xf32, #tpu.memory_space<vmem>>, vector<16xf32>,
        %parallel_loop3A_307 = vector.broadcast %sub3A_22 : f32 to vector<16xf32>
        %parallel_loop3A_308 = arith.cmpf ogt, %parallel_loop3A_306, %parallel_loop3A_307 : vector<16xf32>
        %parallel_loop3A_309 = arith.constant 1 : i32
        %parallel_loop3A_310 = arith.constant 0 : i32
        %parallel_loop3A_311 = vector.broadcast %parallel_loop3A_309 : i32 to vector<16xi32>
        %parallel_loop3A_312 = vector.broadcast %parallel_loop3A_310 : i32 to vector<16xi32>
        %parallel_loop3A_313 = arith.select %parallel_loop3A_308, %parallel_loop3A_311, %parallel_loop3A_312 : vector<16xi1>, vector<16xi32>
        %parallel_loop3A_314 = arith.constant true
        %parallel_loop3A_315 = vector.broadcast %parallel_loop3A_314 : i1 to vector<16xi1>
        %parallel_loop3A_316 = tpu.scan <sum>, %parallel_loop3A_313 masked %parallel_loop3A_315 : vector<16xi32>, vector<16xi1> -> vector<16xi32>
        %parallel_loop3A_317 = arith.constant 1 : i32
        %parallel_loop3A_318 = vector.broadcast %parallel_loop3A_317 : i32 to vector<16xi32>
        %parallel_loop3A_319 = arith.subi %parallel_loop3A_316, %parallel_loop3A_318 : vector<16xi32>
        %parallel_loop3A_320 = vector.broadcast %parallel_loop3A_302 : i32 to vector<16xi32>
        %parallel_loop3A_321 = arith.addi %parallel_loop3A_319, %parallel_loop3A_320 : vector<16xi32>
        tpu.vector_store_idx %arg6[%parallel_loop3A_321], %parallel_loop3A_306 masked %parallel_loop3A_308 : memref<32800xf32, #tpu.memory_space<vmem>>[vector<16xi32>], vector<16xf32>, vector<16xi1>
        %parallel_loop3A_322 = arith.constant true
        %parallel_loop3A_323 = vector.broadcast %parallel_loop3A_322 : i1 to vector<16xi1>
        %parallel_loop3A_324 = tpu.scan <sum>, %parallel_loop3A_313 masked %parallel_loop3A_323 : vector<16xi32>, vector<16xi1> -> vector<16xi32>
        %parallel_loop3A_325 = vector.extract %parallel_loop3A_324[15] : i32 from vector<16xi32>
        %parallel_loop3A_326 = arith.addi %parallel_loop3A_302, %parallel_loop3A_325 : i32
        scf.yield %parallel_loop3A_326 : i32
      } else {
        scf.yield %parallel_loop3A_111 : i32
      }
      scf.yield %parallel_loop3A_132 : i32
    } {sc.loop_unroll_factor = 2 : i64, sc.parallel_access}
    %broadcast_in_dim3A = arith.constant 0.000000e+00 : f32
    %broadcast_in_dim3A_28 = vector.broadcast %broadcast_in_dim3A : f32 to vector<16xf32>
    %add3A_29 = vector.broadcast %sub3A_22 : f32 to vector<16xf32>
    %add3A_30 = arith.addf %broadcast_in_dim3A_28, %add3A_29 : vector<16xf32>
    %swap3A = arith.index_cast %parallel_loop3A_27 : i32 to index
    %swap3A_31 = tpu.vector_load %arg6[%swap3A] {strides = array<i32>} : memref<32800xf32, #tpu.memory_space<vmem>>, vector<16xf32>,
    tpu.vector_store %arg6[%swap3A], %add3A_30 {strides = array<i32>} : memref<32800xf32, #tpu.memory_space<vmem>>, vector<16xf32>,
    %add3A_32 = arith.constant 16 : i32
    %add3A_33 = arith.addi %parallel_loop3A_27, %add3A_32 : i32
    %swap3A_34 = arith.index_cast %add3A_33 : i32 to index
    %swap3A_35 = tpu.vector_load %arg6[%swap3A_34] {strides = array<i32>} : memref<32800xf32, #tpu.memory_space<vmem>>, vector<16xf32>,
    tpu.vector_store %arg6[%swap3A_34], %add3A_30 {strides = array<i32>} : memref<32800xf32, #tpu.memory_space<vmem>>, vector<16xf32>,
    %jit3A = arith.constant 16 : i32
    %div3A = arith.divsi %parallel_loop3A_27, %jit3A : i32
    %sign3A = arith.constant 0 : i32
    %sign3A_36 = arith.cmpi sgt, %parallel_loop3A_27, %sign3A : i32
    %sign3A_37 = arith.extui %sign3A_36 : i1 to i32
    %sign3A_38 = arith.constant 0 : i32
    %sign3A_39 = arith.cmpi slt, %parallel_loop3A_27, %sign3A_38 : i32
    %sign3A_40 = arith.extui %sign3A_39 : i1 to i32
    %sign3A_41 = arith.subi %sign3A_37, %sign3A_40 : i32
    %sign3A_42 = arith.constant 0 : i32
    %sign3A_43 = arith.cmpi sgt, %jit3A, %sign3A_42 : i32
    %sign3A_44 = arith.extui %sign3A_43 : i1 to i32
    %sign3A_45 = arith.constant 0 : i32
    %sign3A_46 = arith.cmpi slt, %jit3A, %sign3A_45 : i32
    %sign3A_47 = arith.extui %sign3A_46 : i1 to i32
    %sign3A_48 = arith.subi %sign3A_44, %sign3A_47 : i32
    %ne3A = arith.cmpi ne, %sign3A_41, %sign3A_48 : i32
    %rem3A = arith.remsi %parallel_loop3A_27, %jit3A : i32
    %ne3A_49 = arith.constant 0 : i32
    %ne3A_50 = arith.cmpi ne, %rem3A, %ne3A_49 : i32
    %and3A = arith.andi %ne3A, %ne3A_50 : i1
    %sub3A_51 = arith.constant 1 : i32
    %sub3A_52 = arith.subi %div3A, %sub3A_51 : i32
    %select_n3A = arith.select %and3A, %sub3A_52, %div3A : i32
    %add3A_53 = arith.constant 1 : i32
    %add3A_54 = arith.addi %select_n3A, %add3A_53 : i32
    %scan3A = arith.constant 0 : i32
    %scan3A_55 = arith.constant 22 : i32
    %scan3A_56 = arith.addi %scan3A, %scan3A_55 : i32
    %scan3A_57 = arith.constant 1 : i32
    %scan3A_58:2 = scf.for %scan3A_110 = %scan3A to %scan3A_56 step %scan3A_57 iter_args(%scan3A_111 = %sub3A_22, %scan3A_112 = %reduce_max3A_21) -> (f32, f32)  : i32 {
      %add3A_113 = arith.addf %scan3A_111, %scan3A_112 : f32
      %mul3A_114 = arith.constant 5.000000e-01 : f32
      %mul3A_115 = arith.mulf %mul3A_114, %add3A_113 : f32
      %broadcast_in_dim3A_116 = arith.constant 0.000000e+00 : f32
      %broadcast_in_dim3A_117 = vector.broadcast %broadcast_in_dim3A_116 : f32 to vector<16xf32>
      %while3A_118 = arith.constant 0 : i32
      %while3A_119 = arith.subi %add3A_54, %while3A_118 : i32
      %while3A_120 = arith.addi %while3A_118, %while3A_119 : i32
      %while3A_121 = arith.constant 1 : i32
      %while3A_122 = arith.divsi %while3A_119, %while3A_121 : i32
      %while3A_123 = arith.muli %while3A_122, %while3A_121 : i32
      %while3A_124 = arith.addi %while3A_118, %while3A_123 : i32
      %while3A_125 = arith.constant 1 : i32
      %while3A_126 = scf.for %while3A_136 = %while3A_118 to %while3A_124 step %while3A_125 iter_args(%while3A_137 = %broadcast_in_dim3A_117) -> (vector<16xf32>)  : i32 {
        %mul3A_138 = arith.constant 16 : i32
        %mul3A_139 = arith.muli %while3A_136, %mul3A_138 : i32
        %get3A_140 = arith.index_cast %mul3A_139 : i32 to index
        %get3A_141 = tpu.vector_load %arg6[%get3A_140] {strides = array<i32>} : memref<32800xf32, #tpu.memory_space<vmem>>, vector<16xf32>,
        %sub3A_142 = vector.broadcast %mul3A_115 : f32 to vector<16xf32>
        %sub3A_143 = arith.subf %get3A_141, %sub3A_142 : vector<16xf32>
        %max3A = arith.constant 0.000000e+00 : f32
        %max3A_144 = vector.broadcast %max3A : f32 to vector<16xf32>
        %max3A_145 = arith.maximumf %sub3A_143, %max3A_144 : vector<16xf32>
        %add3A_146 = arith.addf %while3A_137, %max3A_145 : vector<16xf32>
        scf.yield %add3A_146 : vector<16xf32>
      }
      %while3A_127 = arith.constant 1 : i32
      %while3A_128 = scf.for %while3A_136 = %while3A_124 to %while3A_120 step %while3A_127 iter_args(%while3A_137 = %while3A_126) -> (vector<16xf32>)  : i32 {
        %mul3A_138 = arith.constant 16 : i32
        %mul3A_139 = arith.muli %while3A_136, %mul3A_138 : i32
        %get3A_140 = arith.index_cast %mul3A_139 : i32 to index
        %get3A_141 = tpu.vector_load %arg6[%get3A_140] {strides = array<i32>} : memref<32800xf32, #tpu.memory_space<vmem>>, vector<16xf32>,
        %sub3A_142 = vector.broadcast %mul3A_115 : f32 to vector<16xf32>
        %sub3A_143 = arith.subf %get3A_141, %sub3A_142 : vector<16xf32>
        %max3A = arith.constant 0.000000e+00 : f32
        %max3A_144 = vector.broadcast %max3A : f32 to vector<16xf32>
        %max3A_145 = arith.maximumf %sub3A_143, %max3A_144 : vector<16xf32>
        %add3A_146 = arith.addf %while3A_137, %max3A_145 : vector<16xf32>
        scf.yield %add3A_146 : vector<16xf32>
      }
      %reduce_sum3A_129 = arith.constant true
      %reduce_sum3A_130 = vector.broadcast %reduce_sum3A_129 : i1 to vector<16xi1>
      %reduce_sum3A_131 = tpu.scan <sum>, %while3A_128 masked %reduce_sum3A_130 : vector<16xf32>, vector<16xi1> -> vector<16xf32>
      %reduce_sum3A_132 = vector.extract %reduce_sum3A_131[15] : f32 from vector<16xf32>
      %ge3A = arith.constant 1.000000e+00 : f32
      %ge3A_133 = arith.cmpf oge, %reduce_sum3A_132, %ge3A : f32
      %select_n3A_134 = arith.select %ge3A_133, %mul3A_115, %scan3A_111 : f32
      %select_n3A_135 = arith.select %ge3A_133, %scan3A_112, %mul3A_115 : f32
      scf.yield %select_n3A_134, %select_n3A_135 : f32, f32
    }
    %scan3A_59 = arith.constant 22 : i32
    %broadcast_in_dim3A_60 = arith.constant 0.000000e+00 : f32
    %broadcast_in_dim3A_61 = vector.broadcast %broadcast_in_dim3A_60 : f32 to vector<16xf32>
    %broadcast_in_dim3A_62 = arith.constant 0.000000e+00 : f32
    %broadcast_in_dim3A_63 = vector.broadcast %broadcast_in_dim3A_62 : f32 to vector<16xf32>
    %while3A = arith.constant 0 : i32
    %while3A_64 = arith.subi %add3A_54, %while3A : i32
    %while3A_65 = arith.addi %while3A, %while3A_64 : i32
    %while3A_66 = arith.constant 1 : i32
    %while3A_67 = arith.divsi %while3A_64, %while3A_66 : i32
    %while3A_68 = arith.muli %while3A_67, %while3A_66 : i32
    %while3A_69 = arith.addi %while3A, %while3A_68 : i32
    %while3A_70 = arith.constant 1 : i32
    %while3A_71:2 = scf.for %while3A_110 = %while3A to %while3A_69 step %while3A_70 iter_args(%while3A_111 = %broadcast_in_dim3A_61, %while3A_112 = %broadcast_in_dim3A_63) -> (vector<16xf32>, vector<16xf32>)  : i32 {
      %mul3A_113 = arith.constant 16 : i32
      %mul3A_114 = arith.muli %while3A_110, %mul3A_113 : i32
      %get3A_115 = arith.index_cast %mul3A_114 : i32 to index
      %get3A_116 = tpu.vector_load %arg6[%get3A_115] {strides = array<i32>} : memref<32800xf32, #tpu.memory_space<vmem>>, vector<16xf32>,
      %gt3A = vector.broadcast %scan3A_58#0 : f32 to vector<16xf32>
      %gt3A_117 = arith.cmpf ogt, %get3A_116, %gt3A : vector<16xf32>
      %jit3A_118 = arith.constant 1.000000e+00 : f32
      %jit3A_119 = arith.constant 0.000000e+00 : f32
      %broadcast_in_dim3A_120 = vector.broadcast %jit3A_118 : f32 to vector<16xf32>
      %broadcast_in_dim3A_121 = vector.broadcast %jit3A_119 : f32 to vector<16xf32>
      %select_n3A_122 = arith.select %gt3A_117, %broadcast_in_dim3A_120, %broadcast_in_dim3A_121 : vector<16xi1>, vector<16xf32>
      %add3A_123 = arith.addf %while3A_111, %select_n3A_122 : vector<16xf32>
      %jit3A_124 = arith.constant 0.000000e+00 : f32
      %broadcast_in_dim3A_125 = vector.broadcast %jit3A_124 : f32 to vector<16xf32>
      %select_n3A_126 = arith.select %gt3A_117, %get3A_116, %broadcast_in_dim3A_125 : vector<16xi1>, vector<16xf32>
      %add3A_127 = arith.addf %while3A_112, %select_n3A_126 : vector<16xf32>
      scf.yield %add3A_123, %add3A_127 : vector<16xf32>, vector<16xf32>
    }
    %while3A_72 = arith.constant 1 : i32
    %while3A_73:2 = scf.for %while3A_110 = %while3A_69 to %while3A_65 step %while3A_72 iter_args(%while3A_111 = %while3A_71#0, %while3A_112 = %while3A_71#1) -> (vector<16xf32>, vector<16xf32>)  : i32 {
      %mul3A_113 = arith.constant 16 : i32
      %mul3A_114 = arith.muli %while3A_110, %mul3A_113 : i32
      %get3A_115 = arith.index_cast %mul3A_114 : i32 to index
      %get3A_116 = tpu.vector_load %arg6[%get3A_115] {strides = array<i32>} : memref<32800xf32, #tpu.memory_space<vmem>>, vector<16xf32>,
      %gt3A = vector.broadcast %scan3A_58#0 : f32 to vector<16xf32>
      %gt3A_117 = arith.cmpf ogt, %get3A_116, %gt3A : vector<16xf32>
      %jit3A_118 = arith.constant 1.000000e+00 : f32
      %jit3A_119 = arith.constant 0.000000e+00 : f32
      %broadcast_in_dim3A_120 = vector.broadcast %jit3A_118 : f32 to vector<16xf32>
      %broadcast_in_dim3A_121 = vector.broadcast %jit3A_119 : f32 to vector<16xf32>
      %select_n3A_122 = arith.select %gt3A_117, %broadcast_in_dim3A_120, %broadcast_in_dim3A_121 : vector<16xi1>, vector<16xf32>
      %add3A_123 = arith.addf %while3A_111, %select_n3A_122 : vector<16xf32>
      %jit3A_124 = arith.constant 0.000000e+00 : f32
      %broadcast_in_dim3A_125 = vector.broadcast %jit3A_124 : f32 to vector<16xf32>
      %select_n3A_126 = arith.select %gt3A_117, %get3A_116, %broadcast_in_dim3A_125 : vector<16xi1>, vector<16xf32>
      %add3A_127 = arith.addf %while3A_112, %select_n3A_126 : vector<16xf32>
      scf.yield %add3A_123, %add3A_127 : vector<16xf32>, vector<16xf32>
    }
    %broadcast_in_dim3A_74 = arith.constant 0.000000e+00 : f32
    %broadcast_in_dim3A_75 = vector.broadcast %broadcast_in_dim3A_74 : f32 to vector<16xf32>
    %reduce_sum3A = arith.constant true
    %reduce_sum3A_76 = vector.broadcast %reduce_sum3A : i1 to vector<16xi1>
    %reduce_sum3A_77 = tpu.scan <sum>, %while3A_73#1 masked %reduce_sum3A_76 : vector<16xf32>, vector<16xi1> -> vector<16xf32>
    %reduce_sum3A_78 = vector.extract %reduce_sum3A_77[15] : f32 from vector<16xf32>
    %add3A_79 = vector.broadcast %reduce_sum3A_78 : f32 to vector<16xf32>
    %add3A_80 = arith.addf %broadcast_in_dim3A_75, %add3A_79 : vector<16xf32>
    %broadcast_in_dim3A_81 = arith.constant 0.000000e+00 : f32
    %broadcast_in_dim3A_82 = vector.broadcast %broadcast_in_dim3A_81 : f32 to vector<16xf32>
    %reduce_sum3A_83 = arith.constant true
    %reduce_sum3A_84 = vector.broadcast %reduce_sum3A_83 : i1 to vector<16xi1>
    %reduce_sum3A_85 = tpu.scan <sum>, %while3A_73#0 masked %reduce_sum3A_84 : vector<16xf32>, vector<16xi1> -> vector<16xf32>
    %reduce_sum3A_86 = vector.extract %reduce_sum3A_85[15] : f32 from vector<16xf32>
    %add3A_87 = vector.broadcast %reduce_sum3A_86 : f32 to vector<16xf32>
    %add3A_88 = arith.addf %broadcast_in_dim3A_82, %add3A_87 : vector<16xf32>
    %sub3A_89 = arith.constant 1.000000e+00 : f32
    %sub3A_90 = vector.broadcast %sub3A_89 : f32 to vector<16xf32>
    %sub3A_91 = arith.subf %add3A_80, %sub3A_90 : vector<16xf32>
    %div3A_92 = arith.divf %sub3A_91, %add3A_88 : vector<16xf32>
    %parallel_loop3A_93 = arith.constant 0 : i32
    %parallel_loop3A_94 = arith.constant 256 : i32
    %parallel_loop3A_95 = arith.constant 1 : i32
    scf.for %parallel_loop3A_110 = %parallel_loop3A_93 to %parallel_loop3A_94 step %parallel_loop3A_95  : i32 {
      %parallel_loop3A_111 = arith.constant 128 : i32
      %parallel_loop3A_112 = arith.muli %parallel_loop3A_110, %parallel_loop3A_111 : i32
      %parallel_loop3A_113 = arith.constant 0 : i32
      %parallel_loop3A_114 = arith.addi %parallel_loop3A_112, %parallel_loop3A_113 : i32
      %parallel_loop3A_115 = arith.index_cast %parallel_loop3A_114 : i32 to index
      %parallel_loop3A_116 = tpu.vector_load %arg4[%parallel_loop3A_115] {strides = array<i32>} : memref<32768xf32, #tpu.memory_space<vmem>>, vector<16xf32>,
      %parallel_loop3A_117 = arith.subf %parallel_loop3A_116, %div3A_92 : vector<16xf32>
      %parallel_loop3A_118 = arith.constant 0.000000e+00 : f32
      %parallel_loop3A_119 = vector.broadcast %parallel_loop3A_118 : f32 to vector<16xf32>
      %parallel_loop3A_120 = arith.maximumf %parallel_loop3A_117, %parallel_loop3A_119 : vector<16xf32>
      %parallel_loop3A_121 = arith.index_cast %parallel_loop3A_114 : i32 to index
      %parallel_loop3A_122 = tpu.vector_load %arg4[%parallel_loop3A_121] {strides = array<i32>} : memref<32768xf32, #tpu.memory_space<vmem>>, vector<16xf32>,
      tpu.vector_store %arg4[%parallel_loop3A_121], %parallel_loop3A_120 {strides = array<i32>} : memref<32768xf32, #tpu.memory_space<vmem>>, vector<16xf32>,
      %parallel_loop3A_123 = arith.constant 16 : i32
      %parallel_loop3A_124 = arith.addi %parallel_loop3A_112, %parallel_loop3A_123 : i32
      %parallel_loop3A_125 = arith.index_cast %parallel_loop3A_124 : i32 to index
      %parallel_loop3A_126 = tpu.vector_load %arg4[%parallel_loop3A_125] {strides = array<i32>} : memref<32768xf32, #tpu.memory_space<vmem>>, vector<16xf32>,
      %parallel_loop3A_127 = arith.subf %parallel_loop3A_126, %div3A_92 : vector<16xf32>
      %parallel_loop3A_128 = arith.constant 0.000000e+00 : f32
      %parallel_loop3A_129 = vector.broadcast %parallel_loop3A_128 : f32 to vector<16xf32>
      %parallel_loop3A_130 = arith.maximumf %parallel_loop3A_127, %parallel_loop3A_129 : vector<16xf32>
      %parallel_loop3A_131 = arith.index_cast %parallel_loop3A_124 : i32 to index
      %parallel_loop3A_132 = tpu.vector_load %arg4[%parallel_loop3A_131] {strides = array<i32>} : memref<32768xf32, #tpu.memory_space<vmem>>, vector<16xf32>,
      tpu.vector_store %arg4[%parallel_loop3A_131], %parallel_loop3A_130 {strides = array<i32>} : memref<32768xf32, #tpu.memory_space<vmem>>, vector<16xf32>,
      %parallel_loop3A_133 = arith.constant 32 : i32
      %parallel_loop3A_134 = arith.addi %parallel_loop3A_112, %parallel_loop3A_133 : i32
      %parallel_loop3A_135 = arith.index_cast %parallel_loop3A_134 : i32 to index
      %parallel_loop3A_136 = tpu.vector_load %arg4[%parallel_loop3A_135] {strides = array<i32>} : memref<32768xf32, #tpu.memory_space<vmem>>, vector<16xf32>,
      %parallel_loop3A_137 = arith.subf %parallel_loop3A_136, %div3A_92 : vector<16xf32>
      %parallel_loop3A_138 = arith.constant 0.000000e+00 : f32
      %parallel_loop3A_139 = vector.broadcast %parallel_loop3A_138 : f32 to vector<16xf32>
      %parallel_loop3A_140 = arith.maximumf %parallel_loop3A_137, %parallel_loop3A_139 : vector<16xf32>
      %parallel_loop3A_141 = arith.index_cast %parallel_loop3A_134 : i32 to index
      %parallel_loop3A_142 = tpu.vector_load %arg4[%parallel_loop3A_141] {strides = array<i32>} : memref<32768xf32, #tpu.memory_space<vmem>>, vector<16xf32>,
      tpu.vector_store %arg4[%parallel_loop3A_141], %parallel_loop3A_140 {strides = array<i32>} : memref<32768xf32, #tpu.memory_space<vmem>>, vector<16xf32>,
      %parallel_loop3A_143 = arith.constant 48 : i32
      %parallel_loop3A_144 = arith.addi %parallel_loop3A_112, %parallel_loop3A_143 : i32
      %parallel_loop3A_145 = arith.index_cast %parallel_loop3A_144 : i32 to index
      %parallel_loop3A_146 = tpu.vector_load %arg4[%parallel_loop3A_145] {strides = array<i32>} : memref<32768xf32, #tpu.memory_space<vmem>>, vector<16xf32>,
      %parallel_loop3A_147 = arith.subf %parallel_loop3A_146, %div3A_92 : vector<16xf32>
      %parallel_loop3A_148 = arith.constant 0.000000e+00 : f32
      %parallel_loop3A_149 = vector.broadcast %parallel_loop3A_148 : f32 to vector<16xf32>
      %parallel_loop3A_150 = arith.maximumf %parallel_loop3A_147, %parallel_loop3A_149 : vector<16xf32>
      %parallel_loop3A_151 = arith.index_cast %parallel_loop3A_144 : i32 to index
      %parallel_loop3A_152 = tpu.vector_load %arg4[%parallel_loop3A_151] {strides = array<i32>} : memref<32768xf32, #tpu.memory_space<vmem>>, vector<16xf32>,
      tpu.vector_store %arg4[%parallel_loop3A_151], %parallel_loop3A_150 {strides = array<i32>} : memref<32768xf32, #tpu.memory_space<vmem>>, vector<16xf32>,
      %parallel_loop3A_153 = arith.constant 64 : i32
      %parallel_loop3A_154 = arith.addi %parallel_loop3A_112, %parallel_loop3A_153 : i32
      %parallel_loop3A_155 = arith.index_cast %parallel_loop3A_154 : i32 to index
      %parallel_loop3A_156 = tpu.vector_load %arg4[%parallel_loop3A_155] {strides = array<i32>} : memref<32768xf32, #tpu.memory_space<vmem>>, vector<16xf32>,
      %parallel_loop3A_157 = arith.subf %parallel_loop3A_156, %div3A_92 : vector<16xf32>
      %parallel_loop3A_158 = arith.constant 0.000000e+00 : f32
      %parallel_loop3A_159 = vector.broadcast %parallel_loop3A_158 : f32 to vector<16xf32>
      %parallel_loop3A_160 = arith.maximumf %parallel_loop3A_157, %parallel_loop3A_159 : vector<16xf32>
      %parallel_loop3A_161 = arith.index_cast %parallel_loop3A_154 : i32 to index
      %parallel_loop3A_162 = tpu.vector_load %arg4[%parallel_loop3A_161] {strides = array<i32>} : memref<32768xf32, #tpu.memory_space<vmem>>, vector<16xf32>,
      tpu.vector_store %arg4[%parallel_loop3A_161], %parallel_loop3A_160 {strides = array<i32>} : memref<32768xf32, #tpu.memory_space<vmem>>, vector<16xf32>,
      %parallel_loop3A_163 = arith.constant 80 : i32
      %parallel_loop3A_164 = arith.addi %parallel_loop3A_112, %parallel_loop3A_163 : i32
      %parallel_loop3A_165 = arith.index_cast %parallel_loop3A_164 : i32 to index
      %parallel_loop3A_166 = tpu.vector_load %arg4[%parallel_loop3A_165] {strides = array<i32>} : memref<32768xf32, #tpu.memory_space<vmem>>, vector<16xf32>,
      %parallel_loop3A_167 = arith.subf %parallel_loop3A_166, %div3A_92 : vector<16xf32>
      %parallel_loop3A_168 = arith.constant 0.000000e+00 : f32
      %parallel_loop3A_169 = vector.broadcast %parallel_loop3A_168 : f32 to vector<16xf32>
      %parallel_loop3A_170 = arith.maximumf %parallel_loop3A_167, %parallel_loop3A_169 : vector<16xf32>
      %parallel_loop3A_171 = arith.index_cast %parallel_loop3A_164 : i32 to index
      %parallel_loop3A_172 = tpu.vector_load %arg4[%parallel_loop3A_171] {strides = array<i32>} : memref<32768xf32, #tpu.memory_space<vmem>>, vector<16xf32>,
      tpu.vector_store %arg4[%parallel_loop3A_171], %parallel_loop3A_170 {strides = array<i32>} : memref<32768xf32, #tpu.memory_space<vmem>>, vector<16xf32>,
      %parallel_loop3A_173 = arith.constant 96 : i32
      %parallel_loop3A_174 = arith.addi %parallel_loop3A_112, %parallel_loop3A_173 : i32
      %parallel_loop3A_175 = arith.index_cast %parallel_loop3A_174 : i32 to index
      %parallel_loop3A_176 = tpu.vector_load %arg4[%parallel_loop3A_175] {strides = array<i32>} : memref<32768xf32, #tpu.memory_space<vmem>>, vector<16xf32>,
      %parallel_loop3A_177 = arith.subf %parallel_loop3A_176, %div3A_92 : vector<16xf32>
      %parallel_loop3A_178 = arith.constant 0.000000e+00 : f32
      %parallel_loop3A_179 = vector.broadcast %parallel_loop3A_178 : f32 to vector<16xf32>
      %parallel_loop3A_180 = arith.maximumf %parallel_loop3A_177, %parallel_loop3A_179 : vector<16xf32>
      %parallel_loop3A_181 = arith.index_cast %parallel_loop3A_174 : i32 to index
      %parallel_loop3A_182 = tpu.vector_load %arg4[%parallel_loop3A_181] {strides = array<i32>} : memref<32768xf32, #tpu.memory_space<vmem>>, vector<16xf32>,
      tpu.vector_store %arg4[%parallel_loop3A_181], %parallel_loop3A_180 {strides = array<i32>} : memref<32768xf32, #tpu.memory_space<vmem>>, vector<16xf32>,
      %parallel_loop3A_183 = arith.constant 112 : i32
      %parallel_loop3A_184 = arith.addi %parallel_loop3A_112, %parallel_loop3A_183 : i32
      %parallel_loop3A_185 = arith.index_cast %parallel_loop3A_184 : i32 to index
      %parallel_loop3A_186 = tpu.vector_load %arg4[%parallel_loop3A_185] {strides = array<i32>} : memref<32768xf32, #tpu.memory_space<vmem>>, vector<16xf32>,
      %parallel_loop3A_187 = arith.subf %parallel_loop3A_186, %div3A_92 : vector<16xf32>
      %parallel_loop3A_188 = arith.constant 0.000000e+00 : f32
      %parallel_loop3A_189 = vector.broadcast %parallel_loop3A_188 : f32 to vector<16xf32>
      %parallel_loop3A_190 = arith.maximumf %parallel_loop3A_187, %parallel_loop3A_189 : vector<16xf32>
      %parallel_loop3A_191 = arith.index_cast %parallel_loop3A_184 : i32 to index
      %parallel_loop3A_192 = tpu.vector_load %arg4[%parallel_loop3A_191] {strides = array<i32>} : memref<32768xf32, #tpu.memory_space<vmem>>, vector<16xf32>,
      tpu.vector_store %arg4[%parallel_loop3A_191], %parallel_loop3A_190 {strides = array<i32>} : memref<32768xf32, #tpu.memory_space<vmem>>, vector<16xf32>,
    } {sc.loop_unroll_factor = 4 : i64, sc.parallel_access}
    %add3A_96 = arith.constant 0 : i32
    %add3A_97 = arith.addi %mul3A_2, %add3A_96 : i32
    %dma_start3A_98 = arith.constant 0 : i32
    %dma_start3A_99 = tpu.memref_slice %arg3[%add3A_97, %dma_start3A_98] : memref<32x32768xf32, #tpu.memory_space<hbm>> -> memref<1x32768xf32, #tpu.memory_space<hbm>>
    %dma_start3A_100 = tpu.memref_squeeze %dma_start3A_99 : memref<1x32768xf32, #tpu.memory_space<hbm>> -> memref<32768xf32, #tpu.memory_space<hbm>>
    %dma_start3A_101 = arith.constant 0 : i32
    %dma_start3A_102 = tpu.memref_slice %arg3[%add3A_97, %dma_start3A_101] : memref<32x32768xf32, #tpu.memory_space<hbm>> -> memref<1x32768xf32, #tpu.memory_space<hbm>>
    %dma_start3A_103 = tpu.memref_squeeze %dma_start3A_102 : memref<1x32768xf32, #tpu.memory_space<hbm>> -> memref<32768xf32, #tpu.memory_space<hbm>>
    tpu.enqueue_dma source(%arg4 : memref<32768xf32, #tpu.memory_space<vmem>>) target(%dma_start3A_103 : memref<32768xf32, #tpu.memory_space<hbm>>) target_semaphore(%arg10 : memref<!tpu.dma_semaphore, #tpu.memory_space<semaphore_mem>>)
    %dma_wait3A_104 = arith.constant 0 : i32
    %dma_wait3A_105 = tpu.memref_slice %arg3[%add3A_97, %dma_wait3A_104] : memref<32x32768xf32, #tpu.memory_space<hbm>> -> memref<1x32768xf32, #tpu.memory_space<hbm>>
    %dma_wait3A_106 = tpu.memref_squeeze %dma_wait3A_105 : memref<1x32768xf32, #tpu.memory_space<hbm>> -> memref<32768xf32, #tpu.memory_space<hbm>>
    %dma_wait3A_107 = arith.constant 0 : i32
    %dma_wait3A_108 = tpu.memref_slice %arg3[%add3A_97, %dma_wait3A_107] : memref<32x32768xf32, #tpu.memory_space<hbm>> -> memref<1x32768xf32, #tpu.memory_space<hbm>>
    %dma_wait3A_109 = tpu.memref_squeeze %dma_wait3A_108 : memref<1x32768xf32, #tpu.memory_space<hbm>> -> memref<32768xf32, #tpu.memory_space<hbm>>
    tpu.wait_dma2 semaphore(%arg10 : memref<!tpu.dma_semaphore, #tpu.memory_space<semaphore_mem>>) src(%arg4 : memref<32768xf32, #tpu.memory_space<vmem>>) dst(%dma_wait3A_109 : memref<32768xf32, #tpu.memory_space<hbm>>)
    return
  }
}

module attributes {stable_mosaic.version = 14 : i64} {
  func.func @_tc_block(%arg0: i32, %arg1: memref<48x32768xf32, #tpu.memory_space<vmem>>, %arg2: memref<48x32768xf32, #tpu.memory_space<vmem>>) attributes {dimension_semantics = [#tpu.dimension_semantics<arbitrary>], iteration_bounds = array<i64: 2>, scalar_prefetch = 0 : i64, scratch_operands = 0 : i64, tpu.core_type = #tpu.core_type<tc>, window_params = [{transform_indices = @transform_0, window_bounds = array<i64: 48, 32768>}, {transform_indices = @transform_1, window_bounds = array<i64: 48, 32768>}]} {
    %get3A = arith.constant 0 : index
    %get3A_0 = arith.constant 0 : index
    %get3A_1 = vector.load %arg1[%get3A, %get3A_0] : memref<48x32768xf32, #tpu.memory_space<vmem>>, vector<48x32768xf32>
    %reduce_max3A = arith.constant dense<0xFF800000> : vector<48xf32>
    %reduce_max3A_2 = vector.multi_reduction <maximumf>, %get3A_1, %reduce_max3A [1] : vector<48x32768xf32> to vector<48xf32>
    %broadcast_in_dim3A = vector.shape_cast %reduce_max3A_2 : vector<48xf32> to vector<48x1xf32>
    %sub3A = arith.constant 1.000000e+00 : f32
    %sub3A_3 = vector.broadcast %sub3A : f32 to vector<48x1xf32>
    %sub3A_4 = arith.subf %broadcast_in_dim3A, %sub3A_3 : vector<48x1xf32>
    %scan3A = arith.constant 0 : i32
    %scan3A_5 = arith.constant 14 : i32
    %scan3A_6 = arith.addi %scan3A, %scan3A_5 : i32
    %scan3A_7 = arith.constant 1 : i32
    %scan3A_8:2 = scf.for %scan3A_26 = %scan3A to %scan3A_6 step %scan3A_7 iter_args(%scan3A_27 = %sub3A_4, %scan3A_28 = %broadcast_in_dim3A) -> (vector<48x1xf32>, vector<48x1xf32>)  : i32 {
      %add3A = arith.addf %scan3A_27, %scan3A_28 : vector<48x1xf32>
      %mul3A = arith.constant 5.000000e-01 : f32
      %mul3A_29 = vector.broadcast %mul3A : f32 to vector<48x1xf32>
      %mul3A_30 = arith.mulf %mul3A_29, %add3A : vector<48x1xf32>
      %sub3A_31 = vector.broadcast %mul3A_30 : vector<48x1xf32> to vector<48x32768xf32>
      %sub3A_32 = arith.subf %get3A_1, %sub3A_31 : vector<48x32768xf32>
      %max3A_33 = arith.constant 0.000000e+00 : f32
      %max3A_34 = vector.broadcast %max3A_33 : f32 to vector<48x32768xf32>
      %max3A_35 = arith.maximumf %sub3A_32, %max3A_34 : vector<48x32768xf32>
      %reduce_sum3A_36 = arith.constant dense<0.000000e+00> : vector<48xf32>
      %reduce_sum3A_37 = vector.multi_reduction <add>, %max3A_35, %reduce_sum3A_36 [1] : vector<48x32768xf32> to vector<48xf32>
      %broadcast_in_dim3A_38 = vector.shape_cast %reduce_sum3A_37 : vector<48xf32> to vector<48x1xf32>
      %ge3A = arith.constant 1.000000e+00 : f32
      %ge3A_39 = vector.broadcast %ge3A : f32 to vector<48x1xf32>
      %ge3A_40 = arith.cmpf oge, %broadcast_in_dim3A_38, %ge3A_39 : vector<48x1xf32>
      %select_n3A_41 = arith.select %ge3A_40, %mul3A_30, %scan3A_27 : vector<48x1xi1>, vector<48x1xf32>
      %select_n3A_42 = arith.select %ge3A_40, %scan3A_28, %mul3A_30 : vector<48x1xi1>, vector<48x1xf32>
      scf.yield %select_n3A_41, %select_n3A_42 : vector<48x1xf32>, vector<48x1xf32>
    }
    %gt3A = vector.broadcast %scan3A_8#0 : vector<48x1xf32> to vector<48x32768xf32>
    %gt3A_9 = arith.cmpf ogt, %get3A_1, %gt3A : vector<48x32768xf32>
    %convert_element_type3A = arith.extui %gt3A_9 : vector<48x32768xi1> to vector<48x32768xi32>
    %convert_element_type3A_10 = arith.sitofp %convert_element_type3A : vector<48x32768xi32> to vector<48x32768xf32>
    %reduce_sum3A = arith.constant dense<0.000000e+00> : vector<48xf32>
    %reduce_sum3A_11 = vector.multi_reduction <add>, %convert_element_type3A_10, %reduce_sum3A [1] : vector<48x32768xf32> to vector<48xf32>
    %broadcast_in_dim3A_12 = vector.shape_cast %reduce_sum3A_11 : vector<48xf32> to vector<48x1xf32>
    %jit3A = arith.constant 0.000000e+00 : f32
    %broadcast_in_dim3A_13 = vector.broadcast %jit3A : f32 to vector<48x32768xf32>
    %select_n3A = arith.select %gt3A_9, %get3A_1, %broadcast_in_dim3A_13 : vector<48x32768xi1>, vector<48x32768xf32>
    %reduce_sum3A_14 = arith.constant dense<0.000000e+00> : vector<48xf32>
    %reduce_sum3A_15 = vector.multi_reduction <add>, %select_n3A, %reduce_sum3A_14 [1] : vector<48x32768xf32> to vector<48xf32>
    %broadcast_in_dim3A_16 = vector.shape_cast %reduce_sum3A_15 : vector<48xf32> to vector<48x1xf32>
    %sub3A_17 = arith.constant 1.000000e+00 : f32
    %sub3A_18 = vector.broadcast %sub3A_17 : f32 to vector<48x1xf32>
    %sub3A_19 = arith.subf %broadcast_in_dim3A_16, %sub3A_18 : vector<48x1xf32>
    %div3A = arith.divf %sub3A_19, %broadcast_in_dim3A_12 : vector<48x1xf32>
    %sub3A_20 = vector.broadcast %div3A : vector<48x1xf32> to vector<48x32768xf32>
    %sub3A_21 = arith.subf %get3A_1, %sub3A_20 : vector<48x32768xf32>
    %max3A = arith.constant 0.000000e+00 : f32
    %max3A_22 = vector.broadcast %max3A : f32 to vector<48x32768xf32>
    %max3A_23 = arith.maximumf %sub3A_21, %max3A_22 : vector<48x32768xf32>
    %swap3A = arith.constant 0 : index
    %swap3A_24 = arith.constant 0 : index
    %swap3A_25 = vector.load %arg2[%swap3A, %swap3A_24] : memref<48x32768xf32, #tpu.memory_space<vmem>>, vector<48x32768xf32>
    tpu.vector_store %arg2[%swap3A, %swap3A_24], %max3A_23 {strides = array<i32>} : memref<48x32768xf32, #tpu.memory_space<vmem>>, vector<48x32768xf32>,
    return
  }
  func.func @transform_0(%arg0: i32) -> (i32, i32) {
    %c0_i32 = arith.constant 0 : i32
    %c0_i32_0 = arith.constant 0 : i32
    return %arg0, %c0_i32 : i32, i32
  }
  func.func @transform_1(%arg0: i32) -> (i32, i32) {
    %c0_i32 = arith.constant 0 : i32
    %c0_i32_0 = arith.constant 0 : i32
    return %arg0, %c0_i32 : i32, i32
  }
}

</mosaic_0001>

<sc_bundles>
// kernel: kernel.4.cloned.1.call-start
scs
__scs_entry_jumppad:
0x0: {  	(pc) =	sbr.rel $0x88, $3  }
0x1: {  	(tag) =	ssettag $0x0;
	lr =	simm.s32 $0x1  }
0x2: {  	[smem:$0x3FA0] =	sst lr;
	_ =	strace $0xD0000000  }
0x3: {  	_ = 	snop  }
0x4: {  	_ = 	snop  }
0x5: {  	_ = 	snop  }
0x6: {  	_ = 	snop  }
0x7: {  	_ = 	snop  }
__scs_overlays_trampoline_lowered:
0x8: {  	[smem:$0x3FAF] =	sst s0  }
0x9: {  	[smem:$0x3FB0] =	sst s1  }
0xa: {  	[smem:$0x3FB1] =	sst s2  }
0xb: {  	[smem:$0x3FB2] =	sst s3  }
0xc: {  	[smem:$0x3FB3] =	sst s4  }
0xd: {  	[smem:$0x3FB4] =	sst s5  }
0xe: {  	[smem:$0x3FB5] =	sst s6  }
0xf: {  	[smem:$0x3FB6] =	sst s7  }
0x10: {  	[smem:$0x3FB7] =	sst s8  }
0x11: {  	[smem:$0x3FB8] =	sst s9;
	s0 =	simm.s32 @!p0 $0x0  }
0x12: {  	s1 =	sld [smem:$0x3F9E];
	s0 =	simm.s32 @p0 $0x1  }
0x13: {  	[smem:$0x3FB9] =	sst s0;
	s0 =	simm.s32 @!p1 $0x0  }
0x14: {  	s2 =	sld [smem:$0x3F9D];
	s0 =	simm.s32 @p1 $0x1  }
0x15: {  	[smem:$0x3FBA] =	sst s0;
	s0 =	simm.s32 @!p2 $0x0  }
0x16: {  	s3 =	sld [smem:$0x3FDB];
	s0 =	simm.s32 @p2 $0x1  }
0x17: {  	s4 =	simm.s32 $0x1BF5;
	[smem:$0x3FBC] =	sst s0  }
0x18: {  	s0 =	sld [smem:$0x3F9F];
	_ =	swait.ge [sflag:s4], $0x0  }
0x19: {  	s7 =	sld [smem:$0x3FA0]  }
0x1a: {  	s8 =	sadd.s32 $0xFFFFE003, lr  }
0x1b: {  	s9 =	sadd.s32 $0xFFFFFEF7, lr;
	s5 =	simm.s32 $0xFFFFFFFF;
	p2 =	slt.u32 s8, $0xFFFFF086  }
0x1c: {  	p1 =	slt.u32 s9, $0xF7A;
	s5 =	simm.s32 @!p2 $0x0  }
0x1d: {  	s5 =	simm.s32 @p1 $0x1;
	p0 =	seq.s32 s7, s2  }
0x1e: {  	s7 =	smul.u32 @!p0 $0xF7A, s2;
	p2 =	seq.s32 @!p0 s5, $0x0  }
0x1f: {  	s9 =	smul.u32 $0xF7A, s1;
	s8 =	simm.s32 @!p0 $0x1BF5;
	p2 =	por !p2, p0  }
0x20: {  	[sflag:s8] =	ssyncset.s32 @!p0 $0xFFFFF086;
	s6 =	sadd.s32 @!p0 s3, s7;
	s7 =	simm.s32 @!p0 $0x108  }
0x21: {  	s3 =	sadd.s32 s3, s9;
	s6 =	sadd.s32 @!p0 $0x88, s6;
	s7 =	simm.s32 @p2 $0x1082  }
0x22: {  	[simem:s7], [sflag:s8] =	dma.local @!p0 [hbm:s6], $0xF7A  }
0x23: {  	s9 =	sor.u32 $0xD0000000, s2;
	s6 =	simm.s32 $0x108;
	_ =	swait.ge @!p0 [sflag:s8], $0x0  }
0x24: {  	s3 =	sadd.s32 $0x88, s3;
	s6 =	simm.s32 @!p1 $0x1082;
	[sflag:s4] =	ssyncset.s32 $0xFFFFF086  }
0x25: {  	[simem:s6], [sflag:s4] =	dma.local [hbm:s3], $0xF7A  }
0x26: {  	[smem:$0x3FA0] =	sst s1;
	(tag) =	ssettag s2;
	_ =	strace s9  }
0x27: {  	s1 =	sld [smem:$0x3FB0]  }
0x28: {  	s2 =	sld [smem:$0x3FB1]  }
0x29: {  	s4 =	sld [smem:$0x3FB3]  }
0x2a: {  	p0 =	seq.s32 s5, $0x0;
	s5 =	sld [smem:$0x3FB4]  }
0x2b: {  	s6 =	sld [smem:$0x3FB5]  }
0x2c: {  	s7 =	sld [smem:$0x3FB6]  }
0x2d: {  	s3 =	simm.s32 $0x108;
	s8 =	sld [smem:$0x3FB7]  }
0x2e: {  	s3 =	simm.s32 @!p0 $0x1082;
	s9 =	sld [smem:$0x3FB8]  }
0x2f: {  	lr =	sadd.s32 s0, s3;
	s0 =	sld [smem:$0x3FAF]  }
0x30: {  	s3 =	sld [smem:$0x3FB2]  }
0x31: {  	[smem:$0x3FBB] =	sst s10  }
0x32: {  	s10 =	sld [smem:$0x3FB9];
	_ =	sdelay $0x3  }
0x33: {  	p0 =	seq.s32 s10, $0x1;
	s10 =	sld [smem:$0x3FBB];
	_ =	sdelay $0x3  }
0x34: {  	[smem:$0x3FBB] =	sst s10  }
0x35: {  	s10 =	sld [smem:$0x3FBA];
	_ =	sdelay $0x3  }
0x36: {  	p1 =	seq.s32 s10, $0x1;
	s10 =	sld [smem:$0x3FBB];
	_ =	sdelay $0x3  }
0x37: {  	[smem:$0x3FBB] =	sst s10  }
0x38: {  	s10 =	sld [smem:$0x3FBC]  }
0x39: {  	_ = 	snop;
	(pc) =	sbr.ind lr, $3  }
0x3a: {  	_ = 	snop  }
0x3b: {  	_ = 	snop  }
0x3c: {  	p2 =	seq.s32 s10, $0x1;
	s10 =	sld [smem:$0x3FBB]  }
0x3d: {  	_ =	shalt  }
0x3e: {  	_ =	shalt  }
0x3f: {  	_ =	shalt  }
0x40: {  	_ =	shalt  }
0x41: {  	_ =	shalt  }
0x42: {  	_ =	shalt  }
0x43: {  	_ =	shalt  }
0x44: {  	_ =	shalt  }
0x45: {  	_ =	shalt  }
0x46: {  	_ =	shalt  }
0x47: {  	_ =	shalt  }
0x48: {  	_ =	shalt  }
0x49: {  	_ =	shalt  }
0x4a: {  	_ =	shalt  }
0x4b: {  	_ =	shalt  }
0x4c: {  	_ =	shalt  }
0x4d: {  	_ =	shalt  }
0x4e: {  	_ =	shalt  }
0x4f: {  	_ =	shalt  }
0x50: {  	_ =	shalt  }
0x51: {  	_ =	shalt  }
0x52: {  	_ =	shalt  }
0x53: {  	_ =	shalt  }
0x54: {  	_ =	shalt  }
0x55: {  	_ =	shalt  }
0x56: {  	_ =	shalt  }
0x57: {  	_ =	shalt  }
0x58: {  	_ =	shalt  }
0x59: {  	_ =	shalt  }
0x5a: {  	_ =	shalt  }
0x5b: {  	_ =	shalt  }
0x5c: {  	_ =	shalt  }
0x5d: {  	_ =	shalt  }
0x5e: {  	_ =	shalt  }
0x5f: {  	_ =	shalt  }
0x60: {  	_ =	shalt  }
0x61: {  	_ =	shalt  }
0x62: {  	_ =	shalt  }
0x63: {  	_ =	shalt  }
0x64: {  	_ =	shalt  }
0x65: {  	_ =	shalt  }
0x66: {  	_ =	shalt  }
0x67: {  	_ =	shalt  }
0x68: {  	_ =	shalt  }
0x69: {  	_ =	shalt  }
0x6a: {  	_ =	shalt  }
0x6b: {  	_ =	shalt  }
0x6c: {  	_ =	shalt  }
0x6d: {  	_ =	shalt  }
0x6e: {  	_ =	shalt  }
0x6f: {  	_ =	shalt  }
0x70: {  	_ =	shalt  }
0x71: {  	_ =	shalt  }
0x72: {  	_ =	shalt  }
0x73: {  	_ =	shalt  }
0x74: {  	_ =	shalt  }
0x75: {  	_ =	shalt  }
0x76: {  	_ =	shalt  }
0x77: {  	_ =	shalt  }
0x78: {  	_ =	shalt  }
0x79: {  	_ =	shalt  }
0x7a: {  	_ =	shalt  }
0x7b: {  	_ =	shalt  }
0x7c: {  	_ =	shalt  }
0x7d: {  	_ =	shalt  }
0x7e: {  	_ =	shalt  }
0x7f: {  	_ =	shalt  }
0x80: {  	_ =	shalt  }
0x81: {  	_ =	shalt  }
0x82: {  	_ =	shalt  }
0x83: {  	_ =	shalt  }
0x84: {  	_ =	shalt  }
0x85: {  	_ =	shalt  }
0x86: {  	_ =	shalt  }
0x87: {  	_ =	shalt  }
.Lfunc_end0:
.L_simem_size_0:
called_computation_lowered:
.L_overlay_start_0:
0x88: {  	s2 =	sld [smem:$0x3FD9]  }
0x89: {  	s3 =	sld [smem:$0x3FFE];
	_ =	sdelay $0x1  }
0x8a: {  	s1 =	srdreg.scid  }
0x8b: {  	s0 =	sand.u32 $0x1, s1  }
0x8c: {  	s17 =	sshll.u32 s0, $0xA;
	s2 =	sadd.s32 s3, s2  }
0x8d: {  	s2 =	sadd.s32 s2, s17  }
0x8e: {  	[smem:$0x3FC7] =	sst s2  }
0x8f: {  	_ = 	snop  }
0x90: {  	s2 =	sld [smem:$0x3FC9];
	(tm) =	ssettm $0x1  }
0x91: {  	s18 =	sld [smem:$0x3FFB];
	_ =	sdelay $0x3  }
0x92: {  	_ =	strace s18  }
0x93: {  	s3 =	sld [smem:$0x3FFC];
	_ =	sdelay $0x3  }
0x94: {  	_ =	strace s3  }
0x95: {  	s3 =	sld [smem:$0x3FFD];
	_ =	sdelay $0x3  }
0x96: {  	_ =	strace s3  }
0x97: {  	_ =	strace $0x8FFFFFFF  }
0x98: {  	s19 =	sld [smem:$0x3FDB];
	_ =	sdelay $0x1  }
0x99: {  	s4 =	simm.s32 $_scs_section_size  }
0x9a: {  	s5 =	simm.s32 $_size__tile_overlayer_lowered;
	s6 =	simm.s32 $_tile_overlayer_lowered  }
0x9b: {  	s22 =	simm.s32 $0x1BFF;
	s21 =	sshll.u32 s6, $0x1;
	s3 =	sadd.s32 s4, s19  }
0x9c: {  	s7 =	simm.s32 $0x0;
	s20 =	sshll.u32 s5, $0x1;
	s5 =	sadd.s32 s21, s3  }
0x9d: {  	[timem:s7], [sflag:s22] =	dma.local [hbm:s5], s20  }
0x9e: {  	_ =	swait.ge [sflag:s22], s20  }
0x9f: {  	s4 =	ssub.s32 $0x0, s20;
	[sflag:s22] =	ssyncset.done $0x0  }
0xa0: {  	[sflag:s22] =	ssyncadd.s32 s4;
	_ =	sdelay $0x1  }
0xa1: {  	s23 =	simm.s32 $0x1B8B  }
0xa2: {  	_ =	swait.ge [sflag:s23], $0x1  }
0xa3: {  	[sflag:s23] =	ssyncset.done $0x0  }
0xa4: {  	s25 =	simm.s32 $0x1B8E;
	s24 =	sld [smem:$0x3FFE];
	[sflag:s23] =	ssyncadd.s32 $0xFFFFFFFF  }
0xa5: {  	s26 =	simm.s32 $execute0_lowered;
	[smem:$0x3FD2] =	sst s25  }
0xa6: {  	s5 =	sshll.u32 s26, $0x1;
	_ =	strace $0x80000046;
	[dreg:$0x1] =	wrdreg $0xFFFFFFFF  }
0xa7: {  	s28 =	simm.s32 $_size_execute0_lowered;
	s3 =	sadd.s32 s3, s5;
	[dreg:$0x0] =	wrdreg $0x0  }
0xa8: {  	s5 =	sshll.u32 s28, $0x1;
	[dreg:$0x2] =	wrdreg s3  }
0xa9: {  	[dreg:$0x3] =	wrdreg s5  }
0xaa: {  	[dreg:$0x4] =	wrdreg $0xC0  }
0xab: {  	_ =	task [dreg:s7], $0x5FFFF  }
0xac: {  	[dreg:$0x1] =	wrdreg $0xFFFFFFFF  }
0xad: {  	[dreg:$0x0] =	wrdreg $0x60  }
0xae: {  	[dreg:$0x2] =	wrdreg s2  }
0xaf: {  	[dreg:$0x3] =	wrdreg s24  }
0xb0: {  	[dreg:$0x4] =	wrdreg $0x9  }
0xb1: {  	_ =	task.clear_ibuf [dreg:s7], $0x5FFFF;
	_ =	strace $0x90000046  }
0xb2: {  	s29 =	simm.s32 $0x9;
	_ =	strace $0x80000048  }
0xb3: {  	_ =	swait.ge [sflag:s29], $0x1  }
0xb4: {  	[sflag:s29] =	ssyncadd.s32 $0xFFFFFFFF  }
0xb5: {  	_ =	strace $0x90000048  }
0xb6: {  	_ =	sfence  }
0xb7: {  	s30 =	sld [smem:$0x0];
	_ =	sdelay $0x2  }
0xb8: {  	s31 =	sshll.u32 s1, $0xD;
	s1 =	sshrl.u32 s1, $0x2  }
0xb9: {  	s3 =	sand.u32 $0x4000, s31;
	s1 =	sadd.s32 s1, s30  }
0xba: {  	s0 =	sor.u32 s3, s0;
	s1 =	sshll.u32 s1, $0x11  }
0xbb: {  	s0 =	sor.u32 s1, s0  }
0xbc: {  	s0 =	sadd.s32 $0x8F2B, s0  }
0xbd: {  	[sflag:s0] =	ssyncadd.remote.s32 $0x1  }
0xbe: {  	_ =	sfence.sel $0xFFFF  }
0xbf: {  	[dreg:$0x0] =	wrdreg $0xFFFFFFFF;
	(pc) =	sbr.abs _section_cstart, $3  }
0xc0: {  	[dreg:$0x1] =	wrdreg $0xFFFFFFFF  }
0xc1: {  	_ =	task.clear_ibuf [dreg:s7], $0x2FFFF;
	_ =	strace $0x9FFFFFFF  }
0xc2: {  	(tm) =	ssettm $0x7FFFFFFF  }
0xc3: {  	_ =	shalt  }
tec
execute0_lowered:
.L_overlay_start_1:
0x0: {  	(tag) =	ssettag $0x1  }
0x1: {  	s3 =	rddreg [dreg:$0x0]  }
0x2: {  	s4 =	rddreg [dreg:$0x1]  }
0x3: {  	s0 =	rddreg [dreg:$0x2]  }
0x4: {  	s2 =	simm.s32 $0x0;
	s5 =	srdreg.scid;
	s1 =	stileid.u32  }
0x5: {  	s9 =	simm.s32 $0x8000;
	s10 =	simm.s32 $0x2;
	s11 =	simm.s32 $0x0  }
0x6: {  	[smem:$0x7FF] =	sst s2;
	s5 =	sand.u32 $0x1, s5;
	s6 =	sshll.u32 s1, $0x5  }
0x7: {  	s7 =	sshll.u32 s1, $0xD;
	s8 =	sshll.u32 s5, $0x4;
	s6 =	sand.u32 $0x60, s6  }
0x8: {  	s7 =	sand.u32 $0x18000, s7;
	s5 =	ssub.s32 $0x2, s5;
	_ =	strace $0x80000047  }
0x9: {  	s6 =	sor.u32 s8, s6;
	s31 =	sshrl.u32 s5, $0x1;
	s8 =	simm.s32 $0x1  }
0xa: {  	s6 =	sor.u32 s7, s6;
	s5 =	ssub.s32 s5, s31;
	s7 =	simm.s32 $0x400  }
0xb: {  	s4 =	sadd.s32 s6, s4;
	s3 =	sadd.s32 s6, s3;
	s5 =	smax.u32 s5, $0x1  }
0xc: {  	v0 =	vimm.f32 $0.0e+00;
	v1 =	vimm.s32 $0x0;
	s6 =	simm.s32 $0x80;
	s3 =	sadd.s32 $0x60000, s3;
	s4 =	sadd.s32 $0x400, s4  }
.LBB2_1:
0xd: {  	[tilespmem:s2], [sflag:$0x1] =	stream.strided.gather [hbm4b:s3+s6], $0x8000, s7, s6, $0x38;
	[tilespmem:$0x11080] =	vst v63  }
0xe: {  	_ =	swait.ge [sflag:s8], $0x8000  }
0xf: {  	[sflag:s8] =	ssyncset.done $0x0  }
0x10: {  	[sflag:s8] =	ssyncadd.s32 $0xFFFF8000  }
0x11: {  	s14 =	simm.s32 $0x100;
	v7 =	vld [tilespmem:$0x0]  }
0x12: {  	v2 =	vld [tilespmem:s14+$0x70]  }
0x13: {  	v10 =	vld [tilespmem:s14+$0x80]  }
0x14: {  	v5 =	vld [tilespmem:s14+$0xF0]  }
0x15: {  	v6 =	vld [tilespmem:s14+$0xE0]  }
0x16: {  	v3 =	vld [tilespmem:s14+$0xC0]  }
0x17: {  	v4 =	vld [tilespmem:s14+$0xD0]  }
0x18: {  	v12 =	vld [tilespmem:s14+$0x90]  }
0x19: {  	v9 =	vld [tilespmem:s14+$0x0]  }
0x1a: {  	v11 =	vld [tilespmem:s14+$0xFFFFFF80]  }
0x1b: {  	v8 =	vld [tilespmem:s14+$0xFFFFFF10]  }
0x1c: {  	v13 =	vld [tilespmem:s14+$0xFFFFFF20]  }
0x1d: {  	v14 =	vld [tilespmem:s14+$0xFFFFFF30]  }
0x1e: {  	v17 =	vld [tilespmem:s14+$0xB0]  }
0x1f: {  	v15 =	vld [tilespmem:s14+$0xFFFFFF40]  }
0x20: {  	v16 =	vld [tilespmem:s14+$0xFFFFFF50]  }
0x21: {  	v18 =	vld [tilespmem:s14+$0xFFFFFF60]  }
0x22: {  	v19 =	vld [tilespmem:s14+$0xFFFFFF70]  }
0x23: {  	v20 =	vld [tilespmem:s14+$0xFFFFFF00]  }
0x24: {  	v21 =	vld [tilespmem:s14+$0xFFFFFF90]  }
0x25: {  	v22 =	vld [tilespmem:s14+$0xFFFFFFA0]  }
0x26: {  	v23 =	vld [tilespmem:s14+$0xFFFFFFB0]  }
0x27: {  	v24 =	vld [tilespmem:s14+$0xFFFFFFC0]  }
0x28: {  	v26 =	vld [tilespmem:s14+$0xFFFFFFD0]  }
0x29: {  	v25 =	vld [tilespmem:s14+$0x10]  }
0x2a: {  	v27 =	vld [tilespmem:s14+$0xFFFFFFE0]  }
0x2b: {  	v28 =	vld [tilespmem:s14+$0xFFFFFFF0]  }
0x2c: {  	v5 =	vmax.f32 v6, v5;
	v6 =	vmax.f32 v18, v19;
	v15 =	vmax.f32 v15, v16;
	v18 =	vld [tilespmem:s14+$0xA0]  }
0x2d: {  	v13 =	vmax.f32 v13, v14;
	v14 =	vmax.f32 v20, v8;
	v8 =	vld [tilespmem:s14+$0x20];
	v19 =	vmax.f32 v24, v26  }
0x2e: {  	v6 =	vmax.f32 v15, v6;
	v13 =	vmax.f32 v14, v13;
	v14 =	vmax.f32 v11, v21;
	v11 =	vld [tilespmem:s14+$0x30]  }
0x2f: {  	v15 =	vmax.f32 v22, v23;
	v16 =	vmax.f32 v13, v6;
	v6 =	vmax.f32 v9, v25;
	v9 =	vld [tilespmem:s14+$0x40]  }
0x30: {  	s12 =	simm.s32 $0x100A0;
	v10 =	vmax.f32 v10, v12;
	v15 =	vmax.f32 v14, v15;
	v14 =	vmax.f32 v27, v28;
	v13 =	vld [tilespmem:s14+$0x60]  }
0x31: {  	s13 =	simm.s32 $0x0;
	s15 =	simm.s32 $0x300;
	v7 =	vmax.f32 v7, v16;
	[tilespmem:s12+$0xFFFFFFE0] =	vst v16;
	v16 =	vmax.f32 v19, v14;
	v14 =	vld [tilespmem:s14+$0x50];
	s14 =	simm.s32 $0x100A0;
	v12 =	vmax.f32 v18, v17  }
.LBB2_2:
0x32: {  	v17 =	vld [tilespmem:s15+$0x70];
	s13 =	sadd.s32 $0x4, s13;
	s12 =	sadd.s32 $0x40, s12  }
0x33: {  	v15 =	vmax.f32 v15, v16;
	v3 =	vmax.f32 v3, v4;
	v18 =	vld [tilespmem:s15+$0x80];
	p0 =	slt.u32 s13, $0xFC;
	v8 =	vmax.f32 v8, v11  }
0x34: {  	v5 =	vmax.f32 v3, v5;
	v11 =	vld [tilespmem:s15+$0xF0];
	[tilespmem:s14+$0xFFFFFFF0] =	vst v15  }
0x35: {  	v6 =	vmax.f32 v6, v8;
	v16 =	vld [tilespmem:s15+$0xE0];
	v13 =	vmax.f32 v13, v2  }
0x36: {  	v7 =	vmax.f32 v7, v15;
	v3 =	vld [tilespmem:s15+$0xC0];
	v8 =	vmax.f32 v9, v14;
	v9 =	vmax.f32 v10, v12  }
0x37: {  	v4 =	vld [tilespmem:s15+$0xD0];
	v8 =	vmax.f32 v8, v13;
	v9 =	vmax.f32 v9, v5;
	v2 =	vmov v17  }
0x38: {  	v10 =	vld [tilespmem:s15+$0x90];
	v5 =	vmax.f32 v6, v8;
	[tilespmem:s14+$0x10] =	vst v9  }
0x39: {  	v6 =	vld [tilespmem:s15+$0x0];
	[tilespmem:s14+$0x0] =	vst v5;
	v7 =	vmax.f32 v7, v5;
	s14 =	smov.u32 s12  }
0x3a: {  	v8 =	vld [tilespmem:s15+$0xFFFFFF80];
	v5 =	vmax.f32 v16, v11;
	v7 =	vmax.f32 v7, v9  }
0x3b: {  	v9 =	vld [tilespmem:s15+$0xFFFFFF10]  }
0x3c: {  	v11 =	vld [tilespmem:s15+$0xFFFFFF20]  }
0x3d: {  	v12 =	vld [tilespmem:s15+$0xFFFFFF30]  }
0x3e: {  	v17 =	vld [tilespmem:s15+$0xB0]  }
0x3f: {  	v13 =	vld [tilespmem:s15+$0xFFFFFF40]  }
0x40: {  	v14 =	vld [tilespmem:s15+$0xFFFFFF50]  }
0x41: {  	v15 =	vld [tilespmem:s15+$0xFFFFFF60]  }
0x42: {  	v16 =	vld [tilespmem:s15+$0xFFFFFF70]  }
0x43: {  	v19 =	vld [tilespmem:s15+$0xFFFFFF00]  }
0x44: {  	v20 =	vld [tilespmem:s15+$0xFFFFFF90]  }
0x45: {  	v21 =	vld [tilespmem:s15+$0xFFFFFFA0]  }
0x46: {  	v22 =	vld [tilespmem:s15+$0xFFFFFFB0]  }
0x47: {  	v15 =	vmax.f32 v15, v16;
	v16 =	vld [tilespmem:s15+$0xFFFFFFC0]  }
0x48: {  	v23 =	vld [tilespmem:s15+$0x10]  }
0x49: {  	v13 =	vmax.f32 v13, v14;
	v14 =	vld [tilespmem:s15+$0xFFFFFFD0]  }
0x4a: {  	v13 =	vmax.f32 v13, v15;
	v24 =	vld [tilespmem:s15+$0xFFFFFFE0]  }
0x4b: {  	v11 =	vmax.f32 v11, v12;
	v12 =	vmax.f32 v21, v22;
	v21 =	vld [tilespmem:s15+$0xFFFFFFF0]  }
0x4c: {  	v9 =	vmax.f32 v19, v9;
	v19 =	vld [tilespmem:s15+$0xA0]  }
.Ltmp0:
0x4d: {  	v9 =	vmax.f32 v9, v11;
	v15 =	vmax.f32 v8, v20;
	v8 =	vld [tilespmem:s15+$0x20];
	(pc) =	sbr.rel @p0 .LBB2_2-.Ltmp0, $4  }
0x4e: {  	v9 =	vmax.f32 v9, v13;
	v6 =	vmax.f32 v6, v23;
	v14 =	vmax.f32 v16, v14;
	v11 =	vld [tilespmem:s15+$0x30]  }
0x4f: {  	v7 =	vmax.f32 v7, v9;
	v15 =	vmax.f32 v15, v12;
	[tilespmem:s12+$0xFFFFFFE0] =	vst v9;
	v9 =	vld [tilespmem:s15+$0x40]  }
0x50: {  	v10 =	vmax.f32 v18, v10;
	v12 =	vmax.f32 v24, v21;
	v13 =	vld [tilespmem:s15+$0x60]  }
0x51: {  	v16 =	vmax.f32 v14, v12;
	v14 =	vld [tilespmem:s15+$0x50];
	v12 =	vmax.f32 v19, v17;
	s15 =	sadd.s32 $0x200, s15  }
0x52: {  	_ =	sdelay $0x2  }
0x53: {  	v15 =	vmax.f32 v15, v16;
	v3 =	vmax.f32 v3, v4  }
0x54: {  	v8 =	vmax.f32 v8, v11;
	v2 =	vmax.f32 v13, v2;
	v60 =	vmax.f32 v9, v14  }
0x55: {  	v63 =	vmax.f32 v10, v12;
	v61 =	vmax.f32 v6, v8;
	v2 =	vmax.f32 v60, v2  }
0x56: {  	v3 =	vmax.f32 v3, v5;
	v62 =	vmax.f32 v7, v15;
	v2 =	vmax.f32 v61, v2  }
0x57: {  	v3 =	vmax.f32 v63, v3;
	v4 =	vmax.f32 v62, v2  }
0x58: {  	v4 =	vmax.f32 v4, v3  }
0x59: {  	(xrf0) =	vmax.scan.msk.f32 $0xffff, v4;
	_ =	sdelay $0x5  }
0x5a: {  	v4, _, _ =	vpop (xrf0)  }
0x5b: {  	(v2sf) =	vpush v4, $0xF;
	_ =	sdelay $0xd  }
.Ltmp1:
0x5c: {  	_ = 	snop;
	(pc) =	sbr.rel .LBB2_4-.Ltmp1, $4  }
0x5d: {  	s13 =	spop (v2sf)  }
0x5e: {  	[tilespmem:s14+$0xFFFFFFF0] =	vst v15;
	s12 =	sadd.f32 $-1.000000000e+00, s13  }
0x5f: {  	s17 =	simm.s32 $0x0;
	[tilespmem:s14+$0x10] =	vst v3  }
0x60: {  	s15 =	simm.s32 $0x10090;
	s16 =	simm.s32 $0x80;
	[tilespmem:s14+$0x0] =	vst v2;
	s14 =	simm.s32 $0xFFFFFFFE;
	v2 =	vmov s12  }
.LBB2_8:
0x61: {  	s14 =	sadd.s32 $0x2, s14  }
0x62: {  	p0 =	slt.u32 s14, $0xFE  }
.Ltmp2:
0x63: {  	_ = 	snop;
	(pc) =	sbr.rel @!p0 .LBB2_9-.Ltmp2, $2  }
0x64: {  	_ =	sdelay $0x2  }
0x65: {  	s15 =	sadd.s32 $0x20, s15;
	s16 =	sadd.s32 $0x100, s16  }
.LBB2_4:
0x66: {  	v3 =	vld [tilespmem:s15+$0xFFFFFFF0];
	_ =	sdelay $0x4  }
0x67: {  	vm0 =	vgt.f32 v3, v2  }
0x68: {  	v3 =	vsel vm0, $0x3F800000, v0  }
0x69: {  	(xrf0) =	vmax.scan.msk.f32 $0xffff, v3;
	_ =	sdelay $0x5  }
0x6a: {  	v3, _, _ =	vpop (xrf0)  }
0x6b: {  	(v2sf) =	vpush v3, $0xF;
	_ =	sdelay $0xe  }
0x6c: {  	s18 =	spop (v2sf)  }
0x6d: {  	p0 =	sgt.f32 s18, $0.0e+00  }
.Ltmp3:
0x6e: {  	_ = 	snop;
	(pc) =	sbr.rel @!p0 .LBB2_6-.Ltmp3, $1  }
0x6f: {  	_ =	sdelay $0x3  }
0x70: {  	v3 =	vld [tilespmem:s16+$0xFFFFFF80];
	_ =	sdelay $0x4  }
0x71: {  	vm0 =	vgt.f32 v3, v2  }
0x72: {  	v4 =	vsel vm0, $0x1, v1  }
0x73: {  	(xrf0) =	vadd.scan.msk.s32 $0xffff, v4;
	_ =	sdelay $0x2  }
0x74: {  	v43 =	vmov s17  }
0x75: {  	v4 =	vadd.s32 $0xFFFFFFFF, v43  }
0x76: {  	v4 =	vbroadcast v4, $0x0  }
0x77: {  	v5, _, _ =	vpop (xrf0)  }
0x78: {  	v4 =	vadd.s32 v4, v5;
	(v2sf) =	vpush v5, $0xF;
	_ =	sdelay $0x4  }
0x79: {  	[tilespmem:v4+s9+$0x0] =	vst.idx.msk vm0, v3  }
0x7a: {  	v3 =	vld [tilespmem:s16+$0xFFFFFF90];
	_ =	sdelay $0x4  }
0x7b: {  	vm9 =	vgt.f32 v3, v2  }
0x7c: {  	v44 =	vsel vm9, $0x1, v1  }
0x7d: {  	(xrf0) =	vadd.scan.msk.s32 $0xffff, v44;
	_ =	sdelay $0x1  }
0x7e: {  	s18 =	spop (v2sf)  }
0x7f: {  	s23 =	sadd.s32 s17, s18  }
0x80: {  	v45 =	vmov s23  }
0x81: {  	v4 =	vadd.s32 $0xFFFFFFFF, v45  }
0x82: {  	v46, _, _ =	vpop (xrf0);
	v4 =	vbroadcast v4, $0x0  }
0x83: {  	(v2sf) =	vpush v46, $0xF  }
0x84: {  	v4 =	vadd.s32 v46, v4;
	_ =	sdelay $0x4  }
0x85: {  	[tilespmem:v4+s9+$0x0] =	vst.idx.msk vm9, v3  }
0x86: {  	v3 =	vld [tilespmem:s16+$0xFFFFFFA0];
	_ =	sdelay $0x4  }
0x87: {  	vm10 =	vgt.f32 v3, v2  }
0x88: {  	v47 =	vsel vm10, $0x1, v1  }
0x89: {  	(xrf0) =	vadd.scan.msk.s32 $0xffff, v47  }
0x8a: {  	s24 =	spop (v2sf)  }
0x8b: {  	s17 =	sadd.s32 s23, s24  }
0x8c: {  	v48 =	vmov s17  }
0x8d: {  	v4 =	vadd.s32 $0xFFFFFFFF, v48  }
0x8e: {  	v4 =	vbroadcast v4, $0x0  }
0x8f: {  	v49, _, _ =	vpop (xrf0)  }
0x90: {  	v4 =	vadd.s32 v49, v4;
	(v2sf) =	vpush v49, $0xF;
	_ =	sdelay $0x4  }
0x91: {  	[tilespmem:v4+s9+$0x0] =	vst.idx.msk vm10, v3  }
0x92: {  	v3 =	vld [tilespmem:s16+$0xFFFFFFB0];
	_ =	sdelay $0x4  }
0x93: {  	vm11 =	vgt.f32 v3, v2  }
0x94: {  	v50 =	vsel vm11, $0x1, v1  }
0x95: {  	(xrf0) =	vadd.scan.msk.s32 $0xffff, v50;
	_ =	sdelay $0x1  }
0x96: {  	s25 =	spop (v2sf)  }
0x97: {  	s17 =	sadd.s32 s17, s25  }
0x98: {  	v51 =	vmov s17  }
0x99: {  	v4 =	vadd.s32 $0xFFFFFFFF, v51  }
0x9a: {  	v52, _, _ =	vpop (xrf0);
	v4 =	vbroadcast v4, $0x0  }
0x9b: {  	(v2sf) =	vpush v52, $0xF  }
0x9c: {  	v4 =	vadd.s32 v52, v4;
	_ =	sdelay $0x4  }
0x9d: {  	[tilespmem:v4+s9+$0x0] =	vst.idx.msk vm11, v3  }
0x9e: {  	v3 =	vld [tilespmem:s16+$0xFFFFFFC0];
	_ =	sdelay $0x4  }
0x9f: {  	vm12 =	vgt.f32 v3, v2  }
0xa0: {  	v53 =	vsel vm12, $0x1, v1  }
0xa1: {  	(xrf0) =	vadd.scan.msk.s32 $0xffff, v53  }
0xa2: {  	s26 =	spop (v2sf)  }
0xa3: {  	s17 =	sadd.s32 s17, s26  }
0xa4: {  	v54 =	vmov s17  }
0xa5: {  	v4 =	vadd.s32 $0xFFFFFFFF, v54  }
0xa6: {  	v4 =	vbroadcast v4, $0x0  }
0xa7: {  	v55, _, _ =	vpop (xrf0)  }
0xa8: {  	v4 =	vadd.s32 v55, v4;
	(v2sf) =	vpush v55, $0xF;
	_ =	sdelay $0x4  }
0xa9: {  	[tilespmem:v4+s9+$0x0] =	vst.idx.msk vm12, v3  }
0xaa: {  	v3 =	vld [tilespmem:s16+$0xFFFFFFD0];
	_ =	sdelay $0x4  }
0xab: {  	vm13 =	vgt.f32 v3, v2  }
0xac: {  	v56 =	vsel vm13, $0x1, v1  }
0xad: {  	(xrf0) =	vadd.scan.msk.s32 $0xffff, v56;
	_ =	sdelay $0x1  }
0xae: {  	s28 =	spop (v2sf)  }
0xaf: {  	s17 =	sadd.s32 s17, s28  }
0xb0: {  	v57 =	vmov s17  }
0xb1: {  	v4 =	vadd.s32 $0xFFFFFFFF, v57  }
0xb2: {  	v58, _, _ =	vpop (xrf0);
	v4 =	vbroadcast v4, $0x0  }
0xb3: {  	(v2sf) =	vpush v58, $0xF  }
0xb4: {  	v4 =	vadd.s32 v58, v4;
	_ =	sdelay $0x4  }
0xb5: {  	[tilespmem:v4+s9+$0x0] =	vst.idx.msk vm13, v3  }
0xb6: {  	v3 =	vld [tilespmem:s16+$0xFFFFFFE0];
	_ =	sdelay $0x4  }
0xb7: {  	vm14 =	vgt.f32 v3, v2  }
0xb8: {  	v59 =	vsel vm14, $0x1, v1  }
0xb9: {  	(xrf0) =	vadd.scan.msk.s32 $0xffff, v59  }
0xba: {  	s29 =	spop (v2sf)  }
0xbb: {  	s17 =	sadd.s32 s17, s29  }
0xbc: {  	v60 =	vmov s17  }
0xbd: {  	v4 =	vadd.s32 $0xFFFFFFFF, v60  }
0xbe: {  	v4 =	vbroadcast v4, $0x0  }
0xbf: {  	v61, _, _ =	vpop (xrf0)  }
0xc0: {  	v4 =	vadd.s32 v61, v4;
	_ =	sdelay $0x4  }
0xc1: {  	[tilespmem:v4+s9+$0x0] =	vst.idx.msk vm14, v3  }
0xc2: {  	v3 =	vld [tilespmem:s16+$0xFFFFFFF0];
	_ =	sdelay $0x3  }
0xc3: {  	(v2sf) =	vpush v61, $0xF  }
0xc4: {  	vm15 =	vgt.f32 v3, v2  }
0xc5: {  	v62 =	vsel vm15, $0x1, v1  }
0xc6: {  	(xrf0) =	vadd.scan.msk.s32 $0xffff, v62;
	_ =	sdelay $0x5  }
0xc7: {  	v4, _, _ =	vpop (xrf0)  }
0xc8: {  	(v2sf) =	vpush v4, $0xF;
	_ =	sdelay $0x4  }
0xc9: {  	s30 =	spop (v2sf)  }
0xca: {  	s17 =	sadd.s32 s17, s30  }
0xcb: {  	v63 =	vmov s17  }
0xcc: {  	v5 =	vadd.s32 $0xFFFFFFFF, v63  }
0xcd: {  	v5 =	vbroadcast v5, $0x0;
	_ =	sdelay $0x1  }
0xce: {  	v4 =	vadd.s32 v4, v5;
	_ =	sdelay $0x3  }
0xcf: {  	s31 =	spop (v2sf)  }
0xd0: {  	[tilespmem:v4+s9+$0x0] =	vst.idx.msk vm15, v3;
	s17 =	sadd.s32 s17, s31  }
.LBB2_6:
0xd1: {  	v3 =	vld [tilespmem:s15+$0x0];
	_ =	sdelay $0x4  }
0xd2: {  	vm0 =	vgt.f32 v3, v2  }
0xd3: {  	v3 =	vsel vm0, $0x3F800000, v0  }
0xd4: {  	(xrf0) =	vmax.scan.msk.f32 $0xffff, v3;
	_ =	sdelay $0x5  }
0xd5: {  	v3, _, _ =	vpop (xrf0)  }
0xd6: {  	(v2sf) =	vpush v3, $0xF;
	_ =	sdelay $0xe  }
0xd7: {  	s18 =	spop (v2sf)  }
0xd8: {  	p0 =	sgt.f32 s18, $0.0e+00  }
.Ltmp4:
0xd9: {  	_ = 	snop;
	(pc) =	sbr.rel @!p0 .LBB2_8-.Ltmp4, $1  }
0xda: {  	_ =	sdelay $0x3  }
0xdb: {  	v3 =	vld [tilespmem:s16+$0x0];
	_ =	sdelay $0x4  }
0xdc: {  	vm0 =	vgt.f32 v3, v2  }
0xdd: {  	v4 =	vsel vm0, $0x1, v1  }
0xde: {  	(xrf0) =	vadd.scan.msk.s32 $0xffff, v4;
	_ =	sdelay $0x2  }
0xdf: {  	v43 =	vmov s17  }
0xe0: {  	v4 =	vadd.s32 $0xFFFFFFFF, v43  }
0xe1: {  	v4 =	vbroadcast v4, $0x0  }
0xe2: {  	v5, _, _ =	vpop (xrf0)  }
0xe3: {  	v4 =	vadd.s32 v4, v5;
	(v2sf) =	vpush v5, $0xF;
	_ =	sdelay $0x4  }
0xe4: {  	[tilespmem:v4+s9+$0x0] =	vst.idx.msk vm0, v3  }
0xe5: {  	v3 =	vld [tilespmem:s16+$0x10];
	_ =	sdelay $0x4  }
0xe6: {  	vm9 =	vgt.f32 v3, v2  }
0xe7: {  	v44 =	vsel vm9, $0x1, v1  }
0xe8: {  	(xrf0) =	vadd.scan.msk.s32 $0xffff, v44;
	_ =	sdelay $0x1  }
0xe9: {  	s18 =	spop (v2sf)  }
0xea: {  	s23 =	sadd.s32 s17, s18  }
0xeb: {  	v45 =	vmov s23  }
0xec: {  	v4 =	vadd.s32 $0xFFFFFFFF, v45  }
0xed: {  	v46, _, _ =	vpop (xrf0);
	v4 =	vbroadcast v4, $0x0  }
0xee: {  	(v2sf) =	vpush v46, $0xF  }
0xef: {  	v4 =	vadd.s32 v46, v4;
	_ =	sdelay $0x4  }
0xf0: {  	[tilespmem:v4+s9+$0x0] =	vst.idx.msk vm9, v3  }
0xf1: {  	v3 =	vld [tilespmem:s16+$0x20];
	_ =	sdelay $0x4  }
0xf2: {  	vm10 =	vgt.f32 v3, v2  }
0xf3: {  	v47 =	vsel vm10, $0x1, v1  }
0xf4: {  	(xrf0) =	vadd.scan.msk.s32 $0xffff, v47  }
0xf5: {  	s24 =	spop (v2sf)  }
0xf6: {  	s17 =	sadd.s32 s23, s24  }
0xf7: {  	v48 =	vmov s17  }
0xf8: {  	v4 =	vadd.s32 $0xFFFFFFFF, v48  }
0xf9: {  	v4 =	vbroadcast v4, $0x0  }
0xfa: {  	v49, _, _ =	vpop (xrf0)  }
0xfb: {  	v4 =	vadd.s32 v49, v4;
	(v2sf) =	vpush v49, $0xF;
	_ =	sdelay $0x4  }
0xfc: {  	[tilespmem:v4+s9+$0x0] =	vst.idx.msk vm10, v3  }
0xfd: {  	v3 =	vld [tilespmem:s16+$0x30];
	_ =	sdelay $0x4  }
0xfe: {  	vm11 =	vgt.f32 v3, v2  }
0xff: {  	v50 =	vsel vm11, $0x1, v1  }
0x100: {  	(xrf0) =	vadd.scan.msk.s32 $0xffff, v50;
	_ =	sdelay $0x1  }
0x101: {  	s25 =	spop (v2sf)  }
0x102: {  	s17 =	sadd.s32 s17, s25  }
0x103: {  	v51 =	vmov s17  }
0x104: {  	v4 =	vadd.s32 $0xFFFFFFFF, v51  }
0x105: {  	v52, _, _ =	vpop (xrf0);
	v4 =	vbroadcast v4, $0x0  }
0x106: {  	(v2sf) =	vpush v52, $0xF  }
0x107: {  	v4 =	vadd.s32 v52, v4;
	_ =	sdelay $0x4  }
0x108: {  	[tilespmem:v4+s9+$0x0] =	vst.idx.msk vm11, v3  }
0x109: {  	v3 =	vld [tilespmem:s16+$0x40];
	_ =	sdelay $0x4  }
0x10a: {  	vm12 =	vgt.f32 v3, v2  }
0x10b: {  	v53 =	vsel vm12, $0x1, v1  }
0x10c: {  	(xrf0) =	vadd.scan.msk.s32 $0xffff, v53  }
0x10d: {  	s26 =	spop (v2sf)  }
0x10e: {  	s17 =	sadd.s32 s17, s26  }
0x10f: {  	v54 =	vmov s17  }
0x110: {  	v4 =	vadd.s32 $0xFFFFFFFF, v54  }
0x111: {  	v4 =	vbroadcast v4, $0x0  }
0x112: {  	v55, _, _ =	vpop (xrf0)  }
0x113: {  	v4 =	vadd.s32 v55, v4;
	(v2sf) =	vpush v55, $0xF;
	_ =	sdelay $0x4  }
0x114: {  	[tilespmem:v4+s9+$0x0] =	vst.idx.msk vm12, v3  }
0x115: {  	v3 =	vld [tilespmem:s16+$0x50];
	_ =	sdelay $0x4  }
0x116: {  	vm13 =	vgt.f32 v3, v2  }
0x117: {  	v56 =	vsel vm13, $0x1, v1  }
0x118: {  	(xrf0) =	vadd.scan.msk.s32 $0xffff, v56;
	_ =	sdelay $0x1  }
0x119: {  	s28 =	spop (v2sf)  }
0x11a: {  	s17 =	sadd.s32 s17, s28  }
0x11b: {  	v57 =	vmov s17  }
0x11c: {  	v4 =	vadd.s32 $0xFFFFFFFF, v57  }
0x11d: {  	v58, _, _ =	vpop (xrf0);
	v4 =	vbroadcast v4, $0x0  }
0x11e: {  	(v2sf) =	vpush v58, $0xF  }
0x11f: {  	v4 =	vadd.s32 v58, v4;
	_ =	sdelay $0x4  }
0x120: {  	[tilespmem:v4+s9+$0x0] =	vst.idx.msk vm13, v3  }
0x121: {  	v3 =	vld [tilespmem:s16+$0x60];
	_ =	sdelay $0x4  }
0x122: {  	vm14 =	vgt.f32 v3, v2  }
0x123: {  	v59 =	vsel vm14, $0x1, v1  }
0x124: {  	(xrf0) =	vadd.scan.msk.s32 $0xffff, v59  }
0x125: {  	s29 =	spop (v2sf)  }
0x126: {  	s17 =	sadd.s32 s17, s29  }
0x127: {  	v60 =	vmov s17  }
0x128: {  	v4 =	vadd.s32 $0xFFFFFFFF, v60  }
0x129: {  	v4 =	vbroadcast v4, $0x0  }
0x12a: {  	v61, _, _ =	vpop (xrf0)  }
0x12b: {  	v4 =	vadd.s32 v61, v4;
	_ =	sdelay $0x4  }
0x12c: {  	[tilespmem:v4+s9+$0x0] =	vst.idx.msk vm14, v3  }
0x12d: {  	v3 =	vld [tilespmem:s16+$0x70];
	_ =	sdelay $0x3  }
0x12e: {  	(v2sf) =	vpush v61, $0xF  }
0x12f: {  	vm15 =	vgt.f32 v3, v2  }
0x130: {  	v62 =	vsel vm15, $0x1, v1  }
0x131: {  	(xrf0) =	vadd.scan.msk.s32 $0xffff, v62;
	_ =	sdelay $0x5  }
0x132: {  	v4, _, _ =	vpop (xrf0)  }
0x133: {  	(v2sf) =	vpush v4, $0xF;
	_ =	sdelay $0x4  }
0x134: {  	s30 =	spop (v2sf)  }
0x135: {  	s17 =	sadd.s32 s17, s30  }
0x136: {  	v63 =	vmov s17  }
0x137: {  	v5 =	vadd.s32 $0xFFFFFFFF, v63  }
0x138: {  	v5 =	vbroadcast v5, $0x0;
	_ =	sdelay $0x1  }
0x139: {  	v4 =	vadd.s32 v4, v5  }
.Ltmp5:
0x13a: {  	_ = 	snop;
	(pc) =	sbr.rel .LBB2_8-.Ltmp5, $3  }
0x13b: {  	_ =	sdelay $0x1  }
0x13c: {  	s31 =	spop (v2sf)  }
0x13d: {  	[tilespmem:v4+s9+$0x0] =	vst.idx.msk vm15, v3;
	s17 =	sadd.s32 s17, s31  }
.LBB2_9:
0x13e: {  	s14 =	sand.u32 $0xF, s17  }
0x13f: {  	s15 =	sshra.s32 s17, $0x1F;
	p0 =	slt.s32 s17, $0x1;
	p1 =	sne.s32 s14, $0x0  }
.Ltmp6:
0x140: {  	s31 =	sshrl.u32 s15, $0x1C;
	p0 =	por !p0, !p1;
	(pc) =	sbr.rel .LBB2_10-.Ltmp6, $4  }
0x141: {  	s15 =	simm.s32 $0x1;
	s14 =	sadd.s32 s31, s17;
	p0 =	por !p0, !p0  }
0x142: {  	s14 =	sshra.s32 s14, $0x4;
	s15 =	simm.s32 @!p0 $0x0  }
0x143: {  	[tilespmem:s17+$0x8000] =	vst v2;
	s16 =	ssub.s32 s14, s15  }
0x144: {  	[tilespmem:s17+$0x8010] =	vst v2;
	s15 =	simm.s32 $0x0;
	s14 =	sadd.s32 $0x1, s16;
	p0 =	slt.s32 s16, $0x0  }
.LBB2_11:
0x145: {  	v2 =	vimm.f32 $0.0e+00  }
.LBB2_17:
0x146: {  	(xrf2) =	vadd.scan.msk.f32 $0xffff, v2;
	_ =	sdelay $0x9  }
0x147: {  	v2, _, _ =	vpop (xrf2)  }
0x148: {  	(v2sf) =	vpush v2, $0xF;
	_ =	sdelay $0xe  }
0x149: {  	s17 =	spop (v2sf)  }
0x14a: {  	p1 =	sge.f32 s17, $1.000000000e+00  }
0x14b: {  	s15 =	sadd.s32 $0x1, s15  }
0x14c: {  	s12 =	smov.u32 @p1 s16;
	s16 =	smov.u32 @p1 s13;
	p1 =	seq.s32 s15, $0x16  }
.Ltmp7:
0x14d: {  	_ = 	snop;
	(pc) =	sbr.rel @p1 .LBB2_12-.Ltmp7, $2  }
0x14e: {  	_ =	sdelay $0x2  }
0x14f: {  	s13 =	smov.u32 s16  }
.LBB2_10:
.Ltmp8:
0x150: {  	(pc) =	sbr.rel @p0 .LBB2_11-.Ltmp8, $3  }
0x151: {  	_ = 	snop  }
0x152: {  	s16 =	sadd.f32 s13, s12;
	_ =	sdelay $0x1  }
0x153: {  	s16 =	smul.f32 $5.000000000e-01, s16  }
0x154: {  	s17 =	simm.s32 $0x8000  }
0x155: {  	p1 =	sne.s32 s14, $0x1;
	v4 =	vld [tilespmem:s17+$0x0]  }
.Ltmp9:
0x156: {  	_ = 	snop;
	(pc) =	sbr.rel @!p1 .LBB2_16-.Ltmp9, $3  }
0x157: {  	_ =	sdelay $0x1  }
0x158: {  	v3 =	vmov s16  }
0x159: {  	v2 =	vimm.f32 $0.0e+00;
	s18 =	simm.s32 $0x8010;
	s17 =	sadd.s32 $0xFFFFFFFF, s14;
	v4 =	vsub.f32 v4, v3  }
.LBB2_15:
0x15a: {  	v5 =	vld [tilespmem:s18+$0x0];
	p1 =	sne.s32 s17, $0x1;
	s17 =	sadd.s32 $0xFFFFFFFF, s17  }
.Ltmp10:
0x15b: {  	v4 =	vmax.f32 v4, $0.0e+00;
	(pc) =	sbr.rel @p1 .LBB2_15-.Ltmp10, $2  }
0x15c: {  	v2 =	vadd.f32 v4, v2;
	_ =	sdelay $0x2  }
0x15d: {  	s18 =	sadd.s32 $0x10, s18;
	v4 =	vsub.f32 v5, v3  }
.LBB2_16:
.Ltmp11:
0x15e: {  	(pc) =	sbr.rel .LBB2_17-.Ltmp11, $3  }
0x15f: {  	_ = 	snop  }
0x160: {  	v3 =	vmax.f32 v4, $0.0e+00  }
0x161: {  	v2 =	vadd.f32 v3, v2;
	_ =	sdelay $0x1  }
.LBB2_12:
.Ltmp12:
0x162: {  	(pc) =	sbr.rel @p0 .LBB2_13-.Ltmp12, $1  }
0x163: {  	_ =	sdelay $0x3  }
0x164: {  	s31 =	simm.s32 $0x8000  }
0x165: {  	p0 =	sne.s32 s14, $0x1;
	v4 =	vld [tilespmem:s31+$0x0]  }
.Ltmp13:
0x166: {  	_ = 	snop;
	(pc) =	sbr.rel @!p0 .LBB2_20-.Ltmp13, $3  }
0x167: {  	_ =	sdelay $0x1  }
0x168: {  	v3 =	vmov s12  }
0x169: {  	v2 =	vimm.f32 $0.0e+00;
	s12 =	sadd.s32 $0xFFFFFFFF, s14;
	s13 =	simm.s32 $0x8010;
	v5 =	vimm.f32 $0.0e+00;
	vm0 =	vgt.f32 v4, v3  }
.LBB2_19:
0x16a: {  	p0 =	sne.s32 s12, $0x1;
	s12 =	sadd.s32 $0xFFFFFFFF, s12;
	v6 =	vsel vm0, $0x3F800000, v0;
	v7 =	vnsel vm0, $0x0, v4;
	v4 =	vld [tilespmem:s13+$0x0]  }
.Ltmp14:
0x16b: {  	v2 =	vadd.f32 v6, v2;
	v5 =	vadd.f32 v7, v5;
	(pc) =	sbr.rel @p0 .LBB2_19-.Ltmp14, $2  }
0x16c: {  	_ =	sdelay $0x2  }
0x16d: {  	s13 =	sadd.s32 $0x10, s13;
	vm0 =	vgt.f32 v4, v3  }
.LBB2_20:
.Ltmp15:
0x16e: {  	(pc) =	sbr.rel .LBB2_21-.Ltmp15, $3  }
0x16f: {  	_ =	sdelay $0x1  }
0x170: {  	v3 =	vsel vm0, $0x3F800000, v0;
	v4 =	vnsel vm0, $0x0, v4  }
0x171: {  	v2 =	vadd.f32 v3, v2;
	v3 =	vadd.f32 v4, v5  }
.LBB2_13:
0x172: {  	v2 =	vimm.f32 $0.0e+00;
	v3 =	vimm.f32 $0.0e+00  }
.LBB2_21:
0x173: {  	_ = 	snop  }
0x174: {  	(xrf2) =	vadd.scan.msk.f32 $0xffff, v3  }
0x175: {  	(xrf2) =	vadd.scan.msk.f32 $0xffff, v2;
	_ =	sdelay $0x8  }
0x176: {  	v2, _, _ =	vpop (xrf2)  }
0x177: {  	v3, _, _ =	vpop (xrf2)  }
0x178: {  	v3 =	vadd.f32 $0.0e+00, v3;
	_ =	sdelay $0x1  }
0x179: {  	v3 =	vbroadcast v3, $0xF;
	_ =	sdelay $0x1  }
0x17a: {  	(erf) = vrcp.f32 v3;
	_ =	sdelay $0x3  }
0x17b: {  	v2 =	vadd.f32 $0.0e+00, v2;
	_ =	sdelay $0x1  }
0x17c: {  	s12 =	simm.s32 $0x100;
	v2 =	vadd.f32 $-1.000000000e+00, v2  }
0x17d: {  	v3 =	vld [tilespmem:s12+$0xF0]  }
0x17e: {  	v4 =	vld [tilespmem:s12+$0xFFFFFF10];
	v2 =	vbroadcast v2, $0xF  }
0x17f: {  	v6 =	vld [tilespmem:s12+$0xFFFFFF20];
	v5 =	vpop (erf)  }
0x180: {  	v2 =	vmul.f32 v2, v5;
	v5 =	vld [tilespmem:s12+$0xFFFFFF30]  }
0x181: {  	v7 =	vld [tilespmem:s12+$0xFFFFFF40]  }
0x182: {  	v8 =	vld [tilespmem:s12+$0xFFFFFF50];
	v3 =	vsub.f32 v3, v2  }
0x183: {  	v9 =	vld [tilespmem:s12+$0xFFFFFF60];
	v4 =	vsub.f32 v4, v2  }
0x184: {  	v10 =	vld [tilespmem:s12+$0xFFFFFF70];
	v6 =	vsub.f32 v6, v2;
	v3 =	vmax.f32 v3, $0.0e+00  }
0x185: {  	v11 =	vld [tilespmem:s12+$0xFFFFFF80];
	v4 =	vmax.f32 v4, $0.0e+00;
	v5 =	vsub.f32 v5, v2;
	[tilespmem:s12+$0xF0] =	vst v3  }
0x186: {  	[tilespmem:s12+$0xFFFFFF10] =	vst v4;
	v3 =	vmax.f32 v6, $0.0e+00;
	v4 =	vsub.f32 v7, v2;
	v6 =	vld [tilespmem:s12+$0xFFFFFF90]  }
0x187: {  	v7 =	vld [tilespmem:s12+$0xFFFFFFA0];
	[tilespmem:s12+$0xFFFFFF20] =	vst v3;
	v3 =	vmax.f32 v5, $0.0e+00;
	v5 =	vsub.f32 v8, v2  }
0x188: {  	v8 =	vld [tilespmem:s12+$0xFFFFFFB0];
	[tilespmem:s12+$0xFFFFFF30] =	vst v3;
	v3 =	vmax.f32 v4, $0.0e+00;
	v4 =	vsub.f32 v9, v2  }
0x189: {  	v9 =	vld [tilespmem:s12+$0xFFFFFFC0];
	[tilespmem:s12+$0xFFFFFF40] =	vst v3;
	v3 =	vmax.f32 v5, $0.0e+00;
	v5 =	vsub.f32 v10, v2  }
0x18a: {  	v10 =	vld [tilespmem:s12+$0xFFFFFFD0];
	[tilespmem:s12+$0xFFFFFF50] =	vst v3;
	v3 =	vmax.f32 v4, $0.0e+00;
	v4 =	vsub.f32 v11, v2  }
0x18b: {  	[tilespmem:s12+$0xFFFFFF60] =	vst v3;
	v3 =	vmax.f32 v5, $0.0e+00;
	v5 =	vsub.f32 v6, v2;
	v6 =	vld [tilespmem:s12+$0xFFFFFFE0]  }
0x18c: {  	[tilespmem:s12+$0xFFFFFF70] =	vst v3;
	v3 =	vmax.f32 v4, $0.0e+00;
	v4 =	vsub.f32 v7, v2;
	v7 =	vld [tilespmem:s12+$0xFFFFFFF0]  }
0x18d: {  	[tilespmem:s12+$0xFFFFFF80] =	vst v3;
	v3 =	vmax.f32 v5, $0.0e+00;
	v5 =	vsub.f32 v8, v2;
	v8 =	vld [tilespmem:s12+$0x0]  }
0x18e: {  	[tilespmem:s12+$0xFFFFFF90] =	vst v3;
	v3 =	vmax.f32 v4, $0.0e+00;
	v4 =	vsub.f32 v9, v2;
	v9 =	vld [tilespmem:s12+$0x10]  }
0x18f: {  	[tilespmem:s12+$0xFFFFFFA0] =	vst v3;
	v3 =	vmax.f32 v5, $0.0e+00;
	v5 =	vsub.f32 v10, v2;
	v10 =	vld [tilespmem:s12+$0x20]  }
0x190: {  	[tilespmem:s12+$0xFFFFFFB0] =	vst v3;
	v3 =	vmax.f32 v4, $0.0e+00;
	v4 =	vsub.f32 v6, v2;
	v6 =	vld [tilespmem:s12+$0x30]  }
0x191: {  	[tilespmem:s12+$0xFFFFFFC0] =	vst v3;
	v3 =	vmax.f32 v5, $0.0e+00;
	v5 =	vsub.f32 v7, v2;
	v7 =	vld [tilespmem:s12+$0x40]  }
0x192: {  	[tilespmem:s12+$0xFFFFFFD0] =	vst v3;
	v3 =	vmax.f32 v4, $0.0e+00;
	v4 =	vsub.f32 v8, v2;
	v8 =	vld [tilespmem:s12+$0x50]  }
0x193: {  	[tilespmem:s12+$0xFFFFFFE0] =	vst v3;
	v3 =	vmax.f32 v5, $0.0e+00;
	v5 =	vsub.f32 v9, v2;
	v9 =	vld [tilespmem:s12+$0x60]  }
0x194: {  	[tilespmem:s12+$0xFFFFFFF0] =	vst v3;
	v3 =	vmax.f32 v4, $0.0e+00;
	v4 =	vsub.f32 v10, v2;
	v10 =	vld [tilespmem:s12+$0x70]  }
0x195: {  	[tilespmem:s12+$0x0] =	vst v3;
	v3 =	vmax.f32 v5, $0.0e+00;
	v5 =	vsub.f32 v6, v2;
	v6 =	vld [tilespmem:s12+$0x80]  }
0x196: {  	[tilespmem:s12+$0x10] =	vst v3;
	v3 =	vmax.f32 v4, $0.0e+00;
	v4 =	vsub.f32 v7, v2;
	v7 =	vld [tilespmem:s12+$0x90]  }
0x197: {  	v11 =	vld [tilespmem:s12+$0xA0];
	[tilespmem:s12+$0x20] =	vst v3;
	v3 =	vmax.f32 v5, $0.0e+00;
	v5 =	vsub.f32 v8, v2  }
0x198: {  	[tilespmem:s12+$0x30] =	vst v3;
	v4 =	vmax.f32 v4, $0.0e+00;
	v8 =	vsub.f32 v9, v2;
	v3 =	vld [tilespmem:s12+$0xB0]  }
0x199: {  	[tilespmem:s12+$0x40] =	vst v4;
	v5 =	vmax.f32 v5, $0.0e+00;
	v9 =	vsub.f32 v10, v2;
	v4 =	vld [tilespmem:s12+$0xC0]  }
0x19a: {  	[tilespmem:s12+$0x50] =	vst v5;
	v8 =	vmax.f32 v8, $0.0e+00;
	v10 =	vsub.f32 v6, v2;
	v5 =	vld [tilespmem:s12+$0xD0]  }
0x19b: {  	v6 =	vld [tilespmem:s12+$0xE0];
	[tilespmem:s12+$0x60] =	vst v8;
	v9 =	vmax.f32 v9, $0.0e+00;
	v8 =	vsub.f32 v7, v2  }
0x19c: {  	s13 =	simm.s32 $0x0;
	s14 =	simm.s32 $0x300;
	v7 =	vld [tilespmem:s12+$0xFFFFFF00];
	[tilespmem:s12+$0x70] =	vst v9;
	v10 =	vmax.f32 v10, $0.0e+00;
	v9 =	vsub.f32 v11, v2  }
.LBB2_22:
0x19d: {  	v11 =	vld [tilespmem:s14+$0xF0];
	s13 =	sadd.s32 $0x4, s13;
	[tilespmem:s12+$0x80] =	vst v10;
	v8 =	vmax.f32 v8, $0.0e+00;
	v3 =	vsub.f32 v3, v2  }
0x19e: {  	v10 =	vld [tilespmem:s14+$0xFFFFFF10];
	p0 =	slt.u32 s13, $0xFC;
	[tilespmem:s12+$0x90] =	vst v8;
	v8 =	vmax.f32 v9, $0.0e+00;
	v4 =	vsub.f32 v4, v2  }
0x19f: {  	v9 =	vld [tilespmem:s14+$0xFFFFFF20];
	[tilespmem:s12+$0xA0] =	vst v8;
	v3 =	vmax.f32 v3, $0.0e+00;
	v5 =	vsub.f32 v5, v2  }
0x1a0: {  	v8 =	vld [tilespmem:s14+$0xFFFFFF30];
	[tilespmem:s12+$0xB0] =	vst v3;
	v3 =	vmax.f32 v4, $0.0e+00;
	v4 =	vsub.f32 v6, v2  }
0x1a1: {  	v6 =	vld [tilespmem:s14+$0xFFFFFF40];
	v7 =	vsub.f32 v7, v2;
	[tilespmem:s12+$0xC0] =	vst v3;
	v3 =	vmax.f32 v5, $0.0e+00  }
0x1a2: {  	v5 =	vld [tilespmem:s14+$0xFFFFFF50];
	v11 =	vsub.f32 v11, v2;
	[tilespmem:s12+$0xD0] =	vst v3;
	v3 =	vmax.f32 v4, $0.0e+00  }
0x1a3: {  	v4 =	vsub.f32 v10, v2;
	v10 =	vld [tilespmem:s14+$0xFFFFFF60];
	v7 =	vmax.f32 v7, $0.0e+00;
	[tilespmem:s12+$0xE0] =	vst v3  }
0x1a4: {  	v3 =	vsub.f32 v9, v2;
	v9 =	vld [tilespmem:s14+$0xFFFFFF70];
	v11 =	vmax.f32 v11, $0.0e+00;
	[tilespmem:s12+$0xFFFFFF00] =	vst v7;
	s12 =	smov.u32 s14  }
0x1a5: {  	v4 =	vmax.f32 v4, $0.0e+00;
	v7 =	vsub.f32 v8, v2;
	v8 =	vld [tilespmem:s14+$0xFFFFFF80];
	[tilespmem:s14+$0xF0] =	vst v11  }
0x1a6: {  	[tilespmem:s14+$0xFFFFFF10] =	vst v4;
	v3 =	vmax.f32 v3, $0.0e+00;
	v4 =	vsub.f32 v6, v2;
	v6 =	vld [tilespmem:s14+$0xFFFFFF90]  }
0x1a7: {  	[tilespmem:s14+$0xFFFFFF20] =	vst v3;
	v3 =	vmax.f32 v7, $0.0e+00;
	v5 =	vsub.f32 v5, v2;
	v7 =	vld [tilespmem:s14+$0xFFFFFFA0]  }
0x1a8: {  	[tilespmem:s14+$0xFFFFFF30] =	vst v3;
	v3 =	vmax.f32 v4, $0.0e+00;
	v4 =	vsub.f32 v10, v2;
	v10 =	vld [tilespmem:s14+$0xFFFFFFB0]  }
0x1a9: {  	[tilespmem:s14+$0xFFFFFF40] =	vst v3;
	v3 =	vmax.f32 v5, $0.0e+00;
	v5 =	vsub.f32 v9, v2;
	v9 =	vld [tilespmem:s14+$0xFFFFFFC0]  }
0x1aa: {  	[tilespmem:s14+$0xFFFFFF50] =	vst v3;
	v3 =	vmax.f32 v4, $0.0e+00;
	v4 =	vsub.f32 v8, v2;
	v8 =	vld [tilespmem:s14+$0xFFFFFFD0]  }
0x1ab: {  	[tilespmem:s14+$0xFFFFFF60] =	vst v3;
	v3 =	vmax.f32 v5, $0.0e+00;
	v5 =	vsub.f32 v6, v2;
	v6 =	vld [tilespmem:s14+$0xFFFFFFE0]  }
0x1ac: {  	[tilespmem:s14+$0xFFFFFF70] =	vst v3;
	v3 =	vmax.f32 v4, $0.0e+00;
	v4 =	vsub.f32 v7, v2;
	v7 =	vld [tilespmem:s14+$0xFFFFFFF0]  }
0x1ad: {  	[tilespmem:s14+$0xFFFFFF80] =	vst v3;
	v3 =	vmax.f32 v5, $0.0e+00;
	v5 =	vsub.f32 v10, v2;
	v10 =	vld [tilespmem:s14+$0x0]  }
0x1ae: {  	[tilespmem:s14+$0xFFFFFF90] =	vst v3;
	v3 =	vmax.f32 v4, $0.0e+00;
	v4 =	vsub.f32 v9, v2;
	v9 =	vld [tilespmem:s14+$0x10]  }
0x1af: {  	[tilespmem:s14+$0xFFFFFFA0] =	vst v3;
	v3 =	vmax.f32 v5, $0.0e+00;
	v5 =	vsub.f32 v8, v2;
	v8 =	vld [tilespmem:s14+$0x20]  }
0x1b0: {  	[tilespmem:s14+$0xFFFFFFB0] =	vst v3;
	v3 =	vmax.f32 v4, $0.0e+00;
	v4 =	vsub.f32 v6, v2;
	v6 =	vld [tilespmem:s14+$0x30]  }
0x1b1: {  	[tilespmem:s14+$0xFFFFFFC0] =	vst v3;
	v3 =	vmax.f32 v5, $0.0e+00;
	v5 =	vsub.f32 v7, v2;
	v7 =	vld [tilespmem:s14+$0x40]  }
0x1b2: {  	[tilespmem:s14+$0xFFFFFFD0] =	vst v3;
	v3 =	vmax.f32 v4, $0.0e+00;
	v4 =	vsub.f32 v10, v2;
	v10 =	vld [tilespmem:s14+$0x50]  }
0x1b3: {  	[tilespmem:s14+$0xFFFFFFE0] =	vst v3;
	v3 =	vmax.f32 v5, $0.0e+00;
	v5 =	vsub.f32 v9, v2;
	v9 =	vld [tilespmem:s14+$0x60]  }
0x1b4: {  	[tilespmem:s14+$0xFFFFFFF0] =	vst v3;
	v3 =	vmax.f32 v4, $0.0e+00;
	v4 =	vsub.f32 v8, v2;
	v8 =	vld [tilespmem:s14+$0x70]  }
0x1b5: {  	[tilespmem:s14+$0x0] =	vst v3;
	v3 =	vmax.f32 v5, $0.0e+00;
	v5 =	vsub.f32 v6, v2;
	v6 =	vld [tilespmem:s14+$0x80]  }
0x1b6: {  	[tilespmem:s14+$0x10] =	vst v3;
	v3 =	vmax.f32 v4, $0.0e+00;
	v4 =	vsub.f32 v7, v2;
	v7 =	vld [tilespmem:s14+$0x90]  }
0x1b7: {  	[tilespmem:s14+$0x20] =	vst v3;
	v3 =	vmax.f32 v5, $0.0e+00;
	v5 =	vsub.f32 v10, v2;
	v11 =	vld [tilespmem:s14+$0xA0]  }
.Ltmp16:
0x1b8: {  	[tilespmem:s14+$0x30] =	vst v3;
	v4 =	vmax.f32 v4, $0.0e+00;
	v9 =	vsub.f32 v9, v2;
	v3 =	vld [tilespmem:s14+$0xB0];
	(pc) =	sbr.rel @p0 .LBB2_22-.Ltmp16, $4  }
0x1b9: {  	[tilespmem:s14+$0x40] =	vst v4;
	v5 =	vmax.f32 v5, $0.0e+00;
	v8 =	vsub.f32 v8, v2;
	v4 =	vld [tilespmem:s14+$0xC0]  }
0x1ba: {  	[tilespmem:s14+$0x50] =	vst v5;
	v9 =	vmax.f32 v9, $0.0e+00;
	v10 =	vsub.f32 v6, v2;
	v5 =	vld [tilespmem:s14+$0xD0]  }
0x1bb: {  	[tilespmem:s14+$0x60] =	vst v9;
	v9 =	vmax.f32 v8, $0.0e+00;
	v8 =	vsub.f32 v7, v2;
	v6 =	vld [tilespmem:s14+$0xE0]  }
0x1bc: {  	s14 =	sadd.s32 $0x200, s14;
	v7 =	vld [tilespmem:s12+$0xFFFFFF00];
	[tilespmem:s12+$0x70] =	vst v9;
	v10 =	vmax.f32 v10, $0.0e+00;
	v9 =	vsub.f32 v11, v2  }
0x1bd: {  	[tilespmem:s12+$0x80] =	vst v10;
	v8 =	vmax.f32 v8, $0.0e+00;
	v3 =	vsub.f32 v3, v2  }
0x1be: {  	[tilespmem:s12+$0x90] =	vst v8;
	v62 =	vmax.f32 v9, $0.0e+00;
	v4 =	vsub.f32 v4, v2  }
0x1bf: {  	[tilespmem:s12+$0xA0] =	vst v62;
	v3 =	vmax.f32 v3, $0.0e+00;
	v5 =	vsub.f32 v5, v2  }
0x1c0: {  	[tilespmem:s12+$0xB0] =	vst v3;
	v3 =	vmax.f32 v4, $0.0e+00;
	v63 =	vsub.f32 v6, v2  }
0x1c1: {  	v2 =	vsub.f32 v7, v2;
	[tilespmem:s12+$0xC0] =	vst v3;
	v3 =	vmax.f32 v5, $0.0e+00  }
0x1c2: {  	s11 =	sadd.s32 $0x1, s11;
	[tilespmem:s12+$0xD0] =	vst v3;
	v3 =	vmax.f32 v63, $0.0e+00  }
0x1c3: {  	p0 =	sne.s32 s11, s5;
	v2 =	vmax.f32 v2, $0.0e+00;
	[tilespmem:s12+$0xE0] =	vst v3  }
.Ltmp17:
0x1c4: {  	[tilespmem:s12+$0xFFFFFF00] =	vst v2;
	(pc) =	sbr.rel @p0 .LBB2_1-.Ltmp17, $4  }
0x1c5: {  	[hbm4b:s4+s6] =	stream.strided.scatter [tilespmem:s2], [sflag:$0x2], $0x8000, s7, s6, $0x38;
	[tilespmem:$0x11080] =	vst v63  }
0x1c6: {  	_ =	swait.ge [sflag:s10], $0x8000  }
0x1c7: {  	[sflag:s10] =	ssyncset.done $0x0  }
0x1c8: {  	[sflag:s10] =	ssyncadd.s32 $0xFFFF8000  }
0x1c9: {  	_ =	sfence.sel $0x180000  }
0x1ca: {  	[bflag:$0x0] =	sbarrier.arrive $0xFFFF  }
0x1cb: {  	p0 =	sne.s32 s1, $0x0;
	_ =	strace $0x90000047  }
0x1cc: {  	s0 =	sadd.s32 @!p0 $0x100000, s0;
	[bflag:$0x2] =	sbarrier.arrive $0xFFFF  }
0x1cd: {  	[sflag:s0] =	ssyncadd.tile.s32 @!p0 $0x1;
	_ =	shalt  }
.Lfunc_end2:
_tile_overlayer_lowered:
.L_overlay_start_2:
0x1ce: {  	(tag) =	ssettag $0x2  }
0x1cf: {  	s0 =	rddreg [dreg:$0x0];
	s2 =	stileid.u32  }
0x1d0: {  	s1 =	rddreg [dreg:$0x1];
	p0 =	sne.s32 s2, $0x0  }
0x1d1: {  	s3 =	rddreg [dreg:$0x2];
	[bflag:$0x3] =	sbarrier.arrive $0xFFFF;
	s2 =	simm.s32 @!p0 $0x1C03  }
0x1d2: {  	[timem:s3], [sflag:s2] =	dma.local @!p0 [hbm:s0], s1  }
0x1d3: {  	s0 =	simm.s32 @!p0 $0x3  }
0x1d4: {  	_ =	swait.ge @!p0 [sflag:s0], s1  }
0x1d5: {  	s1 =	ssub.s32 @!p0 $0x0, s1;
	[sflag:s0] =	ssyncset.done @!p0 $0x0  }
0x1d6: {  	[sflag:s0] =	ssyncadd.s32 @!p0 s1  }
0x1d7: {  	[bflag:$0x3] =	sbarrier.arrive $0xFFFF  }
0x1d8: {  	_ =	shalt  }

</sc_bundles>
